<compile_context>
chip_gen: v7x
topology: tpu7x:2x2x1
jax: 0.10.2.dev20260603
libtpu: 0.0.44.dev20260713+nightly
codegen_flags: <defaults>
</compile_context>

<pallas_src>
import functools

import jax
import jax.numpy as jnp
from jax import lax
from jax.experimental import pallas as pl
from jax.experimental.pallas import tpu as pltpu
from jax.experimental.pallas import tpu_sc as plsc

F32 = jnp.float32
NC, NS, LANES = 2, 16, 16
NW = NC * NS


def _nodes_pre(node_feat, pos, W_in, b_in, W_m1a, b_m1):
    n, d = node_feat.shape
    h_dim = W_in.shape[1]
    bn = 1000

    def body(nf, ps, win, bi, wm1a, bm1, h_o, h1_o, tab_o):
        h = jnp.dot(nf[...], win[...], preferred_element_type=F32) + bi[...]
        h1 = jnp.dot(h, wm1a[...], preferred_element_type=F32) + bm1[...]
        s = jnp.sum(h, axis=1, keepdims=True)
        h_o[...] = h
        h1_o[...] = h1
        tab_o[...] = jnp.concatenate(
            [ps[...], s, jnp.zeros((ps.shape[0], 12), F32)], axis=1)

    return pl.pallas_call(
        body,
        grid=(n // bn,),
        in_specs=[
            pl.BlockSpec((bn, d), lambda i: (i, 0)),
            pl.BlockSpec((bn, 3), lambda i: (i, 0)),
            pl.BlockSpec((d, h_dim), lambda i: (0, 0)),
            pl.BlockSpec((1, h_dim), lambda i: (0, 0)),
            pl.BlockSpec((h_dim, h_dim), lambda i: (0, 0)),
            pl.BlockSpec((1, h_dim), lambda i: (0, 0)),
        ],
        out_specs=[
            pl.BlockSpec((bn, h_dim), lambda i: (i, 0)),
            pl.BlockSpec((bn, h_dim), lambda i: (i, 0)),
            pl.BlockSpec((bn, 16), lambda i: (i, 0)),
        ],
        out_shape=[
            jax.ShapeDtypeStruct((n, h_dim), F32),
            jax.ShapeDtypeStruct((n, h_dim), F32),
            jax.ShapeDtypeStruct((n, 16), F32),
        ],
    )(node_feat, pos, W_in, b_in, W_m1a, b_m1)


def _edge_gather(src, dst, h1, tab):
    e = src.shape[0]
    h_dim = h1.shape[1]
    epw = e // NW
    c = 80
    nch = epw // c
    mesh = plsc.VectorSubcoreMesh(core_axis_name="c", subcore_axis_name="s")

    @functools.partial(
        pl.kernel,
        out_type=(
            jax.ShapeDtypeStruct((e, h_dim), F32),
            jax.ShapeDtypeStruct((e, 16), F32),
            jax.ShapeDtypeStruct((e, 16), F32),
        ),
        mesh=mesh,
        scratch_types=[
            pltpu.VMEM((c,), jnp.int32),
            pltpu.VMEM((c,), jnp.int32),
            pltpu.VMEM((c, h_dim), F32),
            pltpu.VMEM((c, 16), F32),
            pltpu.VMEM((c, 16), F32),
            pltpu.SemaphoreType.DMA,
            pltpu.SemaphoreType.DMA,
            pltpu.SemaphoreType.DMA,
        ],
        compiler_params=pltpu.CompilerParams(use_tc_tiling_on_sc=False),
    )
    def k2(src_h, dst_h, h1_h, tab_h, oh1, ots, otd,
           idxs, idxd, rows, tabs, tabd, s1, s2, s3):
        wid = lax.axis_index("s") * NC + lax.axis_index("c")

        def chunk(i, carry):
            base = pl.multiple_of(wid * epw + i * c, 8)
            pltpu.sync_copy(src_h.at[pl.ds(base, c)], idxs)
            pltpu.sync_copy(dst_h.at[pl.ds(base, c)], idxd)
            cp1 = pltpu.async_copy(h1_h.at[idxs], rows, s1)
            cp2 = pltpu.async_copy(tab_h.at[idxs], tabs, s2)
            cp3 = pltpu.async_copy(tab_h.at[idxd], tabd, s3)
            cp1.wait()
            cp2.wait()
            cp3.wait()
            pltpu.sync_copy(rows, oh1.at[pl.ds(base, c)])
            pltpu.sync_copy(tabs, ots.at[pl.ds(base, c)])
            pltpu.sync_copy(tabd, otd.at[pl.ds(base, c)])
            return carry

        lax.fori_loop(0, nch, chunk, 0)

    return k2(src, dst, h1, tab)


def _edge_math(h1src, tabs, tabd, W_rbf, cut, n_rbf):
    e, h_dim = h1src.shape
    be = 2000

    def body(hs, ts, td, wr, u_o, v_o):
        rij = td[:, 0:3] - ts[:, 0:3]
        d2 = jnp.sum(rij * rij, axis=1, keepdims=True)
        dij = jnp.sqrt(d2)
        dirn = rij / (dij + 1e-8)
        gate = jax.nn.sigmoid(ts[:, 3:4])
        centers = (lax.broadcasted_iota(jnp.int32, (1, n_rbf), 1)
                   .astype(F32) * (cut / (n_rbf - 1)))
        gamma = 1.0 / (2.0 * (cut / n_rbf) ** 2)
        rbf = jnp.exp(-gamma * (dij - centers) ** 2)
        t = hs[...] + jnp.dot(rbf, wr[...], preferred_element_type=F32)
        u_o[...] = t * jax.nn.sigmoid(t)
        v_o[...] = jnp.concatenate(
            [gate * dirn, jnp.ones((be, 1), F32), jnp.zeros((be, 12), F32)],
            axis=1)

    return pl.pallas_call(
        body,
        grid=(e // be,),
        in_specs=[
            pl.BlockSpec((be, h_dim), lambda i: (i, 0)),
            pl.BlockSpec((be, 16), lambda i: (i, 0)),
            pl.BlockSpec((be, 16), lambda i: (i, 0)),
            pl.BlockSpec((n_rbf, h_dim), lambda i: (0, 0)),
        ],
        out_specs=[
            pl.BlockSpec((be, h_dim), lambda i: (i, 0)),
            pl.BlockSpec((be, 16), lambda i: (i, 0)),
        ],
        out_shape=[
            jax.ShapeDtypeStruct((e, h_dim), F32),
            jax.ShapeDtypeStruct((e, 16), F32),
        ],
    )(h1src, tabs, tabd, W_rbf)


def _edge_scatter(dst, u, vrow, n):
    e, h_dim = u.shape
    epw = e // NW
    c = 80
    nch = epw // c
    rpt = n // NS
    dn = 125
    mesh = plsc.VectorSubcoreMesh(core_axis_name="c", subcore_axis_name="s")

    @functools.partial(
        pl.kernel,
        out_type=(
            jax.ShapeDtypeStruct((NC, n, h_dim), F32),
            jax.ShapeDtypeStruct((NC, n, 16), F32),
        ),
        mesh=mesh,
        scratch_types=[
            pltpu.VMEM((c,), jnp.int32),
            pltpu.VMEM((max(c, dn), h_dim), F32),
            pltpu.VMEM((max(c, dn), 16), F32),
            pltpu.VMEM_SHARED((n, h_dim), F32),
            pltpu.VMEM_SHARED((n, 16), F32),
            pltpu.SemaphoreType.DMA,
            pltpu.SemaphoreType.DMA,
        ],
        compiler_params=pltpu.CompilerParams(use_tc_tiling_on_sc=False),
    )
    def k4(dst_h, u_h, v_h, oagg, ovn,
           idxd, ubuf, vbuf, agg_sh, vn_sh, s1, s2):
        cid = lax.axis_index("c")
        sid = lax.axis_index("s")
        wid = sid * NC + cid
        r0 = sid * rpt

        ubuf[...] = jnp.zeros_like(ubuf)
        vbuf[...] = jnp.zeros_like(vbuf)

        def zloop(j, carry):
            pltpu.sync_copy(ubuf.at[pl.ds(0, dn)],
                            agg_sh.at[pl.ds(r0 + j * dn, dn)])
            pltpu.sync_copy(vbuf.at[pl.ds(0, dn)],
                            vn_sh.at[pl.ds(r0 + j * dn, dn)])
            return carry

        lax.fori_loop(0, rpt // dn, zloop, 0)
        plsc.subcore_barrier()

        def chunk(i, carry):
            base = pl.multiple_of(wid * epw + i * c, 8)
            pltpu.sync_copy(dst_h.at[pl.ds(base, c)], idxd)
            pltpu.sync_copy(u_h.at[pl.ds(base, c)], ubuf.at[pl.ds(0, c)])
            pltpu.sync_copy(v_h.at[pl.ds(base, c)], vbuf.at[pl.ds(0, c)])
            cp1 = pltpu.async_copy(ubuf.at[pl.ds(0, c)], agg_sh.at[idxd],
                                   s1, add=True)
            cp2 = pltpu.async_copy(vbuf.at[pl.ds(0, c)], vn_sh.at[idxd],
                                   s2, add=True)
            cp1.wait()
            cp2.wait()
            return carry

        lax.fori_loop(0, nch, chunk, 0)
        plsc.subcore_barrier()

        def dump(j, carry):
            rr = r0 + j * dn
            pltpu.sync_copy(agg_sh.at[pl.ds(rr, dn)], ubuf.at[pl.ds(0, dn)])
            pltpu.sync_copy(ubuf.at[pl.ds(0, dn)], oagg.at[cid, pl.ds(rr, dn)])
            pltpu.sync_copy(vn_sh.at[pl.ds(rr, dn)], vbuf.at[pl.ds(0, dn)])
            pltpu.sync_copy(vbuf.at[pl.ds(0, dn)], ovn.at[cid, pl.ds(rr, dn)])
            return carry

        lax.fori_loop(0, rpt // dn, dump, 0)

    return k4(dst, u, vrow)


def _node_update(h, aggu, vn, W_m2, b_m2, W_u1a, W_u1b, b_u1, W_u2, b_u2,
                 ln_g, ln_b):
    n, h_dim = h.shape
    bn = 1000
    nblk = n // bn

    def body(hb, ab, vb, wm2, bm2, wu1a, wu1b, bu1, wu2, bu2, g, b,
             h2_o, gp_o, gv_o):
        i = pl.program_id(0)
        au = ab[0] + ab[1]
        deg = vb[0, :, 3:4] + vb[1, :, 3:4]
        agg = jnp.dot(au, wm2[...], preferred_element_type=F32) + deg * bm2[...]
        pre = (jnp.dot(hb[...], wu1a[...], preferred_element_type=F32)
               + jnp.dot(agg, wu1b[...], preferred_element_type=F32)
               + bu1[...])
        x = pre * jax.nn.sigmoid(pre)
        x = jnp.dot(x, wu2[...], preferred_element_type=F32) + bu2[...]
        mu = jnp.mean(x, axis=1, keepdims=True)
        var = jnp.mean((x - mu) ** 2, axis=1, keepdims=True)
        h2 = (x - mu) * jax.lax.rsqrt(var + 1e-5) * g[...] + b[...]
        h2_o[...] = h2

        @pl.when(i == 0)
        def _init():
            gp_o[...] = jnp.zeros_like(gp_o)
            gv_o[...] = jnp.zeros_like(gv_o)

        gp_o[...] += jnp.sum(h2, axis=0, keepdims=True)
        vpart = jnp.sum(vb[...], axis=(0, 1))
        gv_o[...] += jnp.concatenate(
            [vpart[None, :], jnp.zeros((1, 112), F32)], axis=1)

        @pl.when(i == nblk - 1)
        def _fin():
            gp_o[...] = gp_o[...] / float(n)
            v = gv_o[...] / float(n)
            lane = lax.broadcasted_iota(jnp.int32, (1, 128), 1)
            vm = jnp.where(lane < 3, v, 0.0)
            nrm = jnp.sqrt(jnp.sum(vm * vm)) + 1e-8
            gv_o[...] = vm / nrm

    return pl.pallas_call(
        body,
        grid=(nblk,),
        in_specs=[
            pl.BlockSpec((bn, h_dim), lambda i: (i, 0)),
            pl.BlockSpec((NC, bn, h_dim), lambda i: (0, i, 0)),
            pl.BlockSpec((NC, bn, 16), lambda i: (0, i, 0)),
            pl.BlockSpec((h_dim, h_dim), lambda i: (0, 0)),
            pl.BlockSpec((1, h_dim), lambda i: (0, 0)),
            pl.BlockSpec((h_dim, h_dim), lambda i: (0, 0)),
            pl.BlockSpec((h_dim, h_dim), lambda i: (0, 0)),
            pl.BlockSpec((1, h_dim), lambda i: (0, 0)),
            pl.BlockSpec((h_dim, h_dim), lambda i: (0, 0)),
            pl.BlockSpec((1, h_dim), lambda i: (0, 0)),
            pl.BlockSpec((1, h_dim), lambda i: (0, 0)),
            pl.BlockSpec((1, h_dim), lambda i: (0, 0)),
        ],
        out_specs=[
            pl.BlockSpec((bn, h_dim), lambda i: (i, 0)),
            pl.BlockSpec((1, h_dim), lambda i: (0, 0)),
            pl.BlockSpec((1, 128), lambda i: (0, 0)),
        ],
        out_shape=[
            jax.ShapeDtypeStruct((n, h_dim), F32),
            jax.ShapeDtypeStruct((1, h_dim), F32),
            jax.ShapeDtypeStruct((1, 128), F32),
        ],
    )(h, aggu, vn, W_m2, b_m2, W_u1a, W_u1b, b_u1, W_u2, b_u2, ln_g, ln_b)


def kernel(node_feat, pos, edge_index, W_in, b_in, W_m1, b_m1, W_m2, b_m2,
           W_u1, b_u1, W_u2, b_u2, ln_g, ln_b):
    n, d = node_feat.shape
    h_dim = W_in.shape[1]
    n_rbf = W_m1.shape[0] - h_dim
    cut = 8.0

    src = edge_index[0]
    dst = edge_index[1]
    W_m1a = W_m1[:h_dim]
    W_rbf = W_m1[h_dim:]
    W_u1a = W_u1[:h_dim]
    W_u1b = W_u1[h_dim:]

    h, h1, tab = _nodes_pre(node_feat, pos, W_in, b_in[None], W_m1a,
                            b_m1[None])
    h1src, tabs, tabd = _edge_gather(src, dst, h1, tab)
    u, vrow = _edge_math(h1src, tabs, tabd, W_rbf, cut, n_rbf)
    aggu, vn = _edge_scatter(dst, u, vrow, n)
    h2, gp, gv = _node_update(h, aggu, vn, W_m2, b_m2[None], W_u1a, W_u1b,
                              b_u1[None], W_u2, b_u2[None], ln_g[None],
                              ln_b[None])
    return (h2, gp[0], gv[0, 0:3])

# --- scband reference (transcript-rebuilt; emitter-appended) ---
"""Pipeline reference for scband-se3-protein-encoder-37417755083171 (READ-ONLY COPY).

The authoritative reference and input builder live on the scoring server;
editing this copy changes nothing except your own understanding.
"""

import jax, jax.numpy as jnp
import numpy as np

N = 10000
E = 320000
D = 128
H = 128
RBF = 8
CUT = 8.0


def setup_inputs(seed: int = 0) -> dict:
    key = jax.random.key(seed)
    ks = jax.random.split(key, 16)
    node_feat = jax.random.normal(ks[0], (N, D), dtype=jnp.float32)
    pos = jax.random.normal(ks[1], (N, 3), dtype=jnp.float32) * 5.0
    edge_index = jax.random.randint(ks[2], (2, E), 0, N, dtype=jnp.int32)
    W_in = jax.random.normal(ks[3], (D, H), dtype=jnp.float32) * 0.05
    b_in = jnp.zeros((H,), dtype=jnp.float32)
    W_m1 = jax.random.normal(ks[4], (H + RBF, H), dtype=jnp.float32) * 0.05
    b_m1 = jnp.zeros((H,), dtype=jnp.float32)
    W_m2 = jax.random.normal(ks[5], (H, H), dtype=jnp.float32) * 0.05
    b_m2 = jnp.zeros((H,), dtype=jnp.float32)
    W_u1 = jax.random.normal(ks[6], (2 * H, H), dtype=jnp.float32) * 0.05
    b_u1 = jnp.zeros((H,), dtype=jnp.float32)
    W_u2 = jax.random.normal(ks[7], (H, H), dtype=jnp.float32) * 0.05
    b_u2 = jnp.zeros((H,), dtype=jnp.float32)
    ln_g = jnp.ones((H,), dtype=jnp.float32)
    ln_b = jnp.zeros((H,), dtype=jnp.float32)
    return {"node_feat": node_feat, "pos": pos, "edge_index": edge_index,
            "W_in": W_in, "b_in": b_in, "W_m1": W_m1, "b_m1": b_m1,
            "W_m2": W_m2, "b_m2": b_m2, "W_u1": W_u1, "b_u1": b_u1,
            "W_u2": W_u2, "b_u2": b_u2, "ln_g": ln_g, "ln_b": ln_b}


def _rbf(d):
    centers = jnp.linspace(0.0, CUT, RBF, dtype=d.dtype)
    gamma = 1.0 / (2.0 * (CUT / RBF) ** 2)
    return jnp.exp(-gamma * (d[:, None] - centers[None, :]) ** 2)


def _layernorm(x, g, b, eps=1e-5):
    mu = jnp.mean(x, axis=-1, keepdims=True)
    var = jnp.mean((x - mu) ** 2, axis=-1, keepdims=True)
    return (x - mu) / jnp.sqrt(var + eps) * g + b


def reference(node_feat, pos, edge_index, W_in, b_in, W_m1, b_m1, W_m2, b_m2,
              W_u1, b_u1, W_u2, b_u2, ln_g, ln_b):
    # lin_in
    h = node_feat @ W_in + b_in
    src = edge_index[0]
    dst = edge_index[1]
    # geometric features
    rij = pos[dst] - pos[src]
    dij = jnp.linalg.norm(rij, axis=-1)
    dir_unit = rij / (dij[:, None] + 1e-08)
    rbf = _rbf(dij)
    # message MLP: Linear -> SiLU -> Linear
    h_src = jnp.take(h, src, axis=0)
    msg_in = jnp.concatenate([h_src, rbf], axis=-1)
    m = jax.nn.silu(msg_in @ W_m1 + b_m1) @ W_m2 + b_m2
    # scatter-add aggregation (index_add_ over dst)
    agg = jax.ops.segment_sum(m, dst, num_segments=N)
    # update MLP + LayerNorm
    h2 = jax.nn.silu(jnp.concatenate([h, agg], axis=-1) @ W_u1 + b_u1) @ W_u2 + b_u2
    h2 = _layernorm(h2, ln_g, ln_b)
    # gated directional vector context
    gate = jax.nn.sigmoid(jnp.sum(h_src, axis=-1, keepdims=True))
    v_edge = gate * dir_unit
    v_node = jax.ops.segment_sum(v_edge, dst, num_segments=N)
    # AdaptiveAvgPool1d(1) over nodes == mean over node axis
    g_P = jnp.mean(h2, axis=0)
    g_vec = jnp.mean(v_node, axis=0)
    g_vec = g_vec / (jnp.linalg.norm(g_vec) + 1e-08)
    return (h2, g_P, g_vec)

if __name__ == "__main__":
    import jax
    _d = setup_inputs()
    print(jax.jit(kernel)(*tuple(_d.values())))

</pallas_src>

<mosaic_0001>
#map = affine_map<(d0, d1) -> (0)>
#map1 = affine_map<(d0, d1) -> (0, 0)>
module attributes {stable_mosaic.version = 14 : i64} {
  func.func @k2(%arg0: i32, %arg1: i32, %arg2: memref<320000xi32, #tpu.memory_space<hbm>>, %arg3: memref<320000xi32, #tpu.memory_space<hbm>>, %arg4: memref<10000x128xf32, #tpu.memory_space<hbm>>, %arg5: memref<10000x16xf32, #tpu.memory_space<hbm>>, %arg6: memref<320000x128xf32, #tpu.memory_space<hbm>>, %arg7: memref<320000x16xf32, #tpu.memory_space<hbm>>, %arg8: memref<320000x16xf32, #tpu.memory_space<hbm>>, %arg9: memref<80xi32, #tpu.memory_space<vmem>>, %arg10: memref<80xi32, #tpu.memory_space<vmem>>, %arg11: memref<80x128xf32, #tpu.memory_space<vmem>>, %arg12: memref<80x16xf32, #tpu.memory_space<vmem>>, %arg13: memref<80x16xf32, #tpu.memory_space<vmem>>, %arg14: memref<!tpu.dma_semaphore, #tpu.memory_space<semaphore_mem>>, %arg15: memref<!tpu.dma_semaphore, #tpu.memory_space<semaphore_mem>>, %arg16: memref<!tpu.dma_semaphore, #tpu.memory_space<semaphore_mem>>) attributes {dimension_semantics = [#tpu.dimension_semantics<core_parallel>, #tpu.dimension_semantics<subcore_parallel>], iteration_bounds = array<i64: 2, 16>, scalar_prefetch = 0 : i64, scratch_operands = 8 : i64, tpu.core_type = #tpu.core_type<sc_vector_subcore>, window_params = [{transform_indices = #map}, {transform_indices = #map}, {transform_indices = #map1}, {transform_indices = #map1}, {transform_indices = #map1}, {transform_indices = #map1}, {transform_indices = #map1}]} {
    %mul3A = arith.constant 2 : i32
    %mul3A_0 = arith.muli %arg1, %mul3A : i32
    %add3A = arith.addi %mul3A_0, %arg0 : i32
    %scan3A = arith.constant 0 : i32
    %scan3A_1 = arith.constant 0 : i32
    %scan3A_2 = arith.constant 125 : i32
    %scan3A_3 = arith.addi %scan3A_1, %scan3A_2 : i32
    %scan3A_4 = arith.constant 1 : i32
    scf.for %scan3A_6 = %scan3A_1 to %scan3A_3 step %scan3A_4  : i32 {
      %mul3A_7 = arith.constant 10000 : i32
      %mul3A_8 = arith.muli %add3A, %mul3A_7 : i32
      %mul3A_9 = arith.constant 80 : i32
      %mul3A_10 = arith.muli %scan3A_6, %mul3A_9 : i32
      %add3A_11 = arith.addi %mul3A_8, %mul3A_10 : i32
      %multiple_of3A = tpu.assume_multiple %add3A_11, 8 : i32
      "tpu.region"() ({
        %run_scoped3A = tpu.sem_alloc : memref<!tpu.dma_semaphore, #tpu.memory_space<semaphore_mem>>
        %dma_start3A_28 = tpu.memref_slice %arg2[%multiple_of3A] : memref<320000xi32, #tpu.memory_space<hbm>> -> memref<80xi32, #tpu.memory_space<hbm>>
        %dma_start3A_29 = tpu.memref_slice %arg2[%multiple_of3A] : memref<320000xi32, #tpu.memory_space<hbm>> -> memref<80xi32, #tpu.memory_space<hbm>>
        tpu.enqueue_dma source(%dma_start3A_29 : memref<80xi32, #tpu.memory_space<hbm>>) target(%arg9 : memref<80xi32, #tpu.memory_space<vmem>>) target_semaphore(%run_scoped3A : memref<!tpu.dma_semaphore, #tpu.memory_space<semaphore_mem>>)
        %dma_wait3A_30 = tpu.memref_slice %arg2[%multiple_of3A] : memref<320000xi32, #tpu.memory_space<hbm>> -> memref<80xi32, #tpu.memory_space<hbm>>
        %dma_wait3A_31 = tpu.memref_slice %arg2[%multiple_of3A] : memref<320000xi32, #tpu.memory_space<hbm>> -> memref<80xi32, #tpu.memory_space<hbm>>
        tpu.wait_dma2 semaphore(%run_scoped3A : memref<!tpu.dma_semaphore, #tpu.memory_space<semaphore_mem>>) src(%dma_wait3A_31 : memref<80xi32, #tpu.memory_space<hbm>>) dst(%arg9 : memref<80xi32, #tpu.memory_space<vmem>>)
        tpu.yield
      }) : () -> ()
      "tpu.region"() ({
        %run_scoped3A = tpu.sem_alloc : memref<!tpu.dma_semaphore, #tpu.memory_space<semaphore_mem>>
        %dma_start3A_28 = tpu.memref_slice %arg3[%multiple_of3A] : memref<320000xi32, #tpu.memory_space<hbm>> -> memref<80xi32, #tpu.memory_space<hbm>>
        %dma_start3A_29 = tpu.memref_slice %arg3[%multiple_of3A] : memref<320000xi32, #tpu.memory_space<hbm>> -> memref<80xi32, #tpu.memory_space<hbm>>
        tpu.enqueue_dma source(%dma_start3A_29 : memref<80xi32, #tpu.memory_space<hbm>>) target(%arg10 : memref<80xi32, #tpu.memory_space<vmem>>) target_semaphore(%run_scoped3A : memref<!tpu.dma_semaphore, #tpu.memory_space<semaphore_mem>>)
        %dma_wait3A_30 = tpu.memref_slice %arg3[%multiple_of3A] : memref<320000xi32, #tpu.memory_space<hbm>> -> memref<80xi32, #tpu.memory_space<hbm>>
        %dma_wait3A_31 = tpu.memref_slice %arg3[%multiple_of3A] : memref<320000xi32, #tpu.memory_space<hbm>> -> memref<80xi32, #tpu.memory_space<hbm>>
        tpu.wait_dma2 semaphore(%run_scoped3A : memref<!tpu.dma_semaphore, #tpu.memory_space<semaphore_mem>>) src(%dma_wait3A_31 : memref<80xi32, #tpu.memory_space<hbm>>) dst(%arg10 : memref<80xi32, #tpu.memory_space<vmem>>)
        tpu.yield
      }) : () -> ()
      %dma_start3A = arith.constant 0 : i32
      %dma_start3A_12 = arith.constant 0 : i32
      %dma_start3A_13 = tpu.memref_slice %arg4[%dma_start3A, %dma_start3A_12] : memref<10000x128xf32, #tpu.memory_space<hbm>> -> memref<10000x128xf32, #tpu.memory_space<hbm>>
      tpu.enqueue_indirect_dma source(%dma_start3A_13 : memref<10000x128xf32, #tpu.memory_space<hbm>>) target(%arg11 : memref<80x128xf32, #tpu.memory_space<vmem>>) offsets(%arg9 : memref<80xi32, #tpu.memory_space<vmem>>) semaphore(%arg14 : memref<!tpu.dma_semaphore, #tpu.memory_space<semaphore_mem>>)
      %dma_start3A_14 = arith.constant 0 : i32
      %dma_start3A_15 = arith.constant 0 : i32
      %dma_start3A_16 = tpu.memref_slice %arg5[%dma_start3A_14, %dma_start3A_15] : memref<10000x16xf32, #tpu.memory_space<hbm>> -> memref<10000x16xf32, #tpu.memory_space<hbm>>
      tpu.enqueue_indirect_dma source(%dma_start3A_16 : memref<10000x16xf32, #tpu.memory_space<hbm>>) target(%arg12 : memref<80x16xf32, #tpu.memory_space<vmem>>) offsets(%arg9 : memref<80xi32, #tpu.memory_space<vmem>>) semaphore(%arg15 : memref<!tpu.dma_semaphore, #tpu.memory_space<semaphore_mem>>)
      %dma_start3A_17 = arith.constant 0 : i32
      %dma_start3A_18 = arith.constant 0 : i32
      %dma_start3A_19 = tpu.memref_slice %arg5[%dma_start3A_17, %dma_start3A_18] : memref<10000x16xf32, #tpu.memory_space<hbm>> -> memref<10000x16xf32, #tpu.memory_space<hbm>>
      tpu.enqueue_indirect_dma source(%dma_start3A_19 : memref<10000x16xf32, #tpu.memory_space<hbm>>) target(%arg13 : memref<80x16xf32, #tpu.memory_space<vmem>>) offsets(%arg10 : memref<80xi32, #tpu.memory_space<vmem>>) semaphore(%arg16 : memref<!tpu.dma_semaphore, #tpu.memory_space<semaphore_mem>>)
      %dma_wait3A = arith.constant 0 : i32
      %dma_wait3A_20 = arith.constant 0 : i32
      %dma_wait3A_21 = tpu.memref_slice %arg4[%dma_wait3A, %dma_wait3A_20] : memref<10000x128xf32, #tpu.memory_space<hbm>> -> memref<10000x128xf32, #tpu.memory_space<hbm>>
      tpu.wait_indirect_dma semaphore(%arg14 : memref<!tpu.dma_semaphore, #tpu.memory_space<semaphore_mem>>) src(%dma_wait3A_21 : memref<10000x128xf32, #tpu.memory_space<hbm>>) dst(%arg11 : memref<80x128xf32, #tpu.memory_space<vmem>>)
      %dma_wait3A_22 = arith.constant 0 : i32
      %dma_wait3A_23 = arith.constant 0 : i32
      %dma_wait3A_24 = tpu.memref_slice %arg5[%dma_wait3A_22, %dma_wait3A_23] : memref<10000x16xf32, #tpu.memory_space<hbm>> -> memref<10000x16xf32, #tpu.memory_space<hbm>>
      tpu.wait_indirect_dma semaphore(%arg15 : memref<!tpu.dma_semaphore, #tpu.memory_space<semaphore_mem>>) src(%dma_wait3A_24 : memref<10000x16xf32, #tpu.memory_space<hbm>>) dst(%arg12 : memref<80x16xf32, #tpu.memory_space<vmem>>)
      %dma_wait3A_25 = arith.constant 0 : i32
      %dma_wait3A_26 = arith.constant 0 : i32
      %dma_wait3A_27 = tpu.memref_slice %arg5[%dma_wait3A_25, %dma_wait3A_26] : memref<10000x16xf32, #tpu.memory_space<hbm>> -> memref<10000x16xf32, #tpu.memory_space<hbm>>
      tpu.wait_indirect_dma semaphore(%arg16 : memref<!tpu.dma_semaphore, #tpu.memory_space<semaphore_mem>>) src(%dma_wait3A_27 : memref<10000x16xf32, #tpu.memory_space<hbm>>) dst(%arg13 : memref<80x16xf32, #tpu.memory_space<vmem>>)
      "tpu.region"() ({
        %run_scoped3A = tpu.sem_alloc : memref<!tpu.dma_semaphore, #tpu.memory_space<semaphore_mem>>
        %dma_start3A_28 = arith.constant 0 : i32
        %dma_start3A_29 = tpu.memref_slice %arg6[%multiple_of3A, %dma_start3A_28] : memref<320000x128xf32, #tpu.memory_space<hbm>> -> memref<80x128xf32, #tpu.memory_space<hbm>>
        %dma_start3A_30 = arith.constant 0 : i32
        %dma_start3A_31 = tpu.memref_slice %arg6[%multiple_of3A, %dma_start3A_30] : memref<320000x128xf32, #tpu.memory_space<hbm>> -> memref<80x128xf32, #tpu.memory_space<hbm>>
        tpu.enqueue_dma source(%arg11 : memref<80x128xf32, #tpu.memory_space<vmem>>) target(%dma_start3A_31 : memref<80x128xf32, #tpu.memory_space<hbm>>) target_semaphore(%run_scoped3A : memref<!tpu.dma_semaphore, #tpu.memory_space<semaphore_mem>>)
        %dma_wait3A_32 = arith.constant 0 : i32
        %dma_wait3A_33 = tpu.memref_slice %arg6[%multiple_of3A, %dma_wait3A_32] : memref<320000x128xf32, #tpu.memory_space<hbm>> -> memref<80x128xf32, #tpu.memory_space<hbm>>
        %dma_wait3A_34 = arith.constant 0 : i32
        %dma_wait3A_35 = tpu.memref_slice %arg6[%multiple_of3A, %dma_wait3A_34] : memref<320000x128xf32, #tpu.memory_space<hbm>> -> memref<80x128xf32, #tpu.memory_space<hbm>>
        tpu.wait_dma2 semaphore(%run_scoped3A : memref<!tpu.dma_semaphore, #tpu.memory_space<semaphore_mem>>) src(%arg11 : memref<80x128xf32, #tpu.memory_space<vmem>>) dst(%dma_wait3A_35 : memref<80x128xf32, #tpu.memory_space<hbm>>)
        tpu.yield
      }) : () -> ()
      "tpu.region"() ({
        %run_scoped3A = tpu.sem_alloc : memref<!tpu.dma_semaphore, #tpu.memory_space<semaphore_mem>>
        %dma_start3A_28 = arith.constant 0 : i32
        %dma_start3A_29 = tpu.memref_slice %arg7[%multiple_of3A, %dma_start3A_28] : memref<320000x16xf32, #tpu.memory_space<hbm>> -> memref<80x16xf32, #tpu.memory_space<hbm>>
        %dma_start3A_30 = arith.constant 0 : i32
        %dma_start3A_31 = tpu.memref_slice %arg7[%multiple_of3A, %dma_start3A_30] : memref<320000x16xf32, #tpu.memory_space<hbm>> -> memref<80x16xf32, #tpu.memory_space<hbm>>
        tpu.enqueue_dma source(%arg12 : memref<80x16xf32, #tpu.memory_space<vmem>>) target(%dma_start3A_31 : memref<80x16xf32, #tpu.memory_space<hbm>>) target_semaphore(%run_scoped3A : memref<!tpu.dma_semaphore, #tpu.memory_space<semaphore_mem>>)
        %dma_wait3A_32 = arith.constant 0 : i32
        %dma_wait3A_33 = tpu.memref_slice %arg7[%multiple_of3A, %dma_wait3A_32] : memref<320000x16xf32, #tpu.memory_space<hbm>> -> memref<80x16xf32, #tpu.memory_space<hbm>>
        %dma_wait3A_34 = arith.constant 0 : i32
        %dma_wait3A_35 = tpu.memref_slice %arg7[%multiple_of3A, %dma_wait3A_34] : memref<320000x16xf32, #tpu.memory_space<hbm>> -> memref<80x16xf32, #tpu.memory_space<hbm>>
        tpu.wait_dma2 semaphore(%run_scoped3A : memref<!tpu.dma_semaphore, #tpu.memory_space<semaphore_mem>>) src(%arg12 : memref<80x16xf32, #tpu.memory_space<vmem>>) dst(%dma_wait3A_35 : memref<80x16xf32, #tpu.memory_space<hbm>>)
        tpu.yield
      }) : () -> ()
      "tpu.region"() ({
        %run_scoped3A = tpu.sem_alloc : memref<!tpu.dma_semaphore, #tpu.memory_space<semaphore_mem>>
        %dma_start3A_28 = arith.constant 0 : i32
        %dma_start3A_29 = tpu.memref_slice %arg8[%multiple_of3A, %dma_start3A_28] : memref<320000x16xf32, #tpu.memory_space<hbm>> -> memref<80x16xf32, #tpu.memory_space<hbm>>
        %dma_start3A_30 = arith.constant 0 : i32
        %dma_start3A_31 = tpu.memref_slice %arg8[%multiple_of3A, %dma_start3A_30] : memref<320000x16xf32, #tpu.memory_space<hbm>> -> memref<80x16xf32, #tpu.memory_space<hbm>>
        tpu.enqueue_dma source(%arg13 : memref<80x16xf32, #tpu.memory_space<vmem>>) target(%dma_start3A_31 : memref<80x16xf32, #tpu.memory_space<hbm>>) target_semaphore(%run_scoped3A : memref<!tpu.dma_semaphore, #tpu.memory_space<semaphore_mem>>)
        %dma_wait3A_32 = arith.constant 0 : i32
        %dma_wait3A_33 = tpu.memref_slice %arg8[%multiple_of3A, %dma_wait3A_32] : memref<320000x16xf32, #tpu.memory_space<hbm>> -> memref<80x16xf32, #tpu.memory_space<hbm>>
        %dma_wait3A_34 = arith.constant 0 : i32
        %dma_wait3A_35 = tpu.memref_slice %arg8[%multiple_of3A, %dma_wait3A_34] : memref<320000x16xf32, #tpu.memory_space<hbm>> -> memref<80x16xf32, #tpu.memory_space<hbm>>
        tpu.wait_dma2 semaphore(%run_scoped3A : memref<!tpu.dma_semaphore, #tpu.memory_space<semaphore_mem>>) src(%arg13 : memref<80x16xf32, #tpu.memory_space<vmem>>) dst(%dma_wait3A_35 : memref<80x16xf32, #tpu.memory_space<hbm>>)
        tpu.yield
      }) : () -> ()
    }
    %scan3A_5 = arith.constant 125 : i32
    return
  }
}

#map = affine_map<(d0, d1) -> (0)>
#map1 = affine_map<(d0, d1) -> (0, 0)>
#map2 = affine_map<(d0, d1) -> (0, 0, 0)>
module attributes {stable_mosaic.version = 14 : i64} {
  func.func @k4(%arg0: i32, %arg1: i32, %arg2: memref<320000xi32, #tpu.memory_space<hbm>>, %arg3: memref<320000x128xf32, #tpu.memory_space<hbm>>, %arg4: memref<320000x16xf32, #tpu.memory_space<hbm>>, %arg5: memref<2x10000x128xf32, #tpu.memory_space<hbm>>, %arg6: memref<2x10000x16xf32, #tpu.memory_space<hbm>>, %arg7: memref<80xi32, #tpu.memory_space<vmem>>, %arg8: memref<125x128xf32, #tpu.memory_space<vmem>>, %arg9: memref<125x16xf32, #tpu.memory_space<vmem>>, %arg10: memref<10000x128xf32, #tpu.memory_space<vmem_shared>>, %arg11: memref<10000x16xf32, #tpu.memory_space<vmem_shared>>, %arg12: memref<!tpu.dma_semaphore, #tpu.memory_space<semaphore_mem>>, %arg13: memref<!tpu.dma_semaphore, #tpu.memory_space<semaphore_mem>>) attributes {dimension_semantics = [#tpu.dimension_semantics<core_parallel>, #tpu.dimension_semantics<subcore_parallel>], iteration_bounds = array<i64: 2, 16>, scalar_prefetch = 0 : i64, scratch_operands = 7 : i64, tpu.core_type = #tpu.core_type<sc_vector_subcore>, window_params = [{transform_indices = #map}, {transform_indices = #map1}, {transform_indices = #map1}, {transform_indices = #map2}, {transform_indices = #map2}]} {
    %mul3A = arith.constant 2 : i32
    %mul3A_0 = arith.muli %arg1, %mul3A : i32
    %add3A = arith.addi %mul3A_0, %arg0 : i32
    %mul3A_1 = arith.constant 625 : i32
    %mul3A_2 = arith.muli %arg1, %mul3A_1 : i32
    %broadcast_in_dim3A = arith.constant 0.000000e+00 : f32
    %broadcast_in_dim3A_3 = vector.broadcast %broadcast_in_dim3A : f32 to vector<125x128xf32>
    %swap3A = arith.constant 0 : index
    %swap3A_4 = arith.constant 0 : index
    %swap3A_5 = tpu.vector_load %arg8[%swap3A, %swap3A_4] {strides = array<i32>} : memref<125x128xf32, #tpu.memory_space<vmem>>, vector<125x128xf32>,
    %swap3A_6 = vector.shape_cast %swap3A_5 : vector<125x128xf32> to vector<125x128xf32>
    %swap3A_7 = vector.shape_cast %broadcast_in_dim3A_3 : vector<125x128xf32> to vector<125x128xf32>
    tpu.vector_store %arg8[%swap3A, %swap3A_4], %swap3A_7 {strides = array<i32>} : memref<125x128xf32, #tpu.memory_space<vmem>>, vector<125x128xf32>,
    %broadcast_in_dim3A_8 = arith.constant 0.000000e+00 : f32
    %broadcast_in_dim3A_9 = vector.broadcast %broadcast_in_dim3A_8 : f32 to vector<125x16xf32>
    %swap3A_10 = arith.constant 0 : index
    %swap3A_11 = arith.constant 0 : index
    %swap3A_12 = tpu.vector_load %arg9[%swap3A_10, %swap3A_11] {strides = array<i32>} : memref<125x16xf32, #tpu.memory_space<vmem>>, vector<125x16xf32>,
    %swap3A_13 = vector.shape_cast %swap3A_12 : vector<125x16xf32> to vector<125x16xf32>
    %swap3A_14 = vector.shape_cast %broadcast_in_dim3A_9 : vector<125x16xf32> to vector<125x16xf32>
    tpu.vector_store %arg9[%swap3A_10, %swap3A_11], %swap3A_14 {strides = array<i32>} : memref<125x16xf32, #tpu.memory_space<vmem>>, vector<125x16xf32>,
    %scan3A = arith.constant 0 : i32
    %scan3A_15 = arith.constant 0 : i32
    %scan3A_16 = arith.constant 5 : i32
    %scan3A_17 = arith.addi %scan3A_15, %scan3A_16 : i32
    %scan3A_18 = arith.constant 1 : i32
    scf.for %scan3A_33 = %scan3A_15 to %scan3A_17 step %scan3A_18  : i32 {
      %mul3A_34 = arith.constant 125 : i32
      %mul3A_35 = arith.muli %scan3A_33, %mul3A_34 : i32
      %add3A_36 = arith.addi %mul3A_2, %mul3A_35 : i32
      "tpu.region"() ({
        %run_scoped3A = tpu.sem_alloc : memref<!tpu.dma_semaphore, #tpu.memory_space<semaphore_mem>>
        %dma_start3A = arith.constant 0 : i32
        %dma_start3A_40 = arith.constant 0 : i32
        %dma_start3A_41 = tpu.memref_slice %arg8[%dma_start3A, %dma_start3A_40] : memref<125x128xf32, #tpu.memory_space<vmem>> -> memref<125x128xf32, #tpu.memory_space<vmem>>
        %dma_start3A_42 = arith.constant 0 : i32
        %dma_start3A_43 = tpu.memref_slice %arg10[%add3A_36, %dma_start3A_42] : memref<10000x128xf32, #tpu.memory_space<vmem_shared>> -> memref<125x128xf32, #tpu.memory_space<vmem_shared>>
        %dma_start3A_44 = arith.constant 0 : i32
        %dma_start3A_45 = tpu.memref_slice %arg10[%add3A_36, %dma_start3A_44] : memref<10000x128xf32, #tpu.memory_space<vmem_shared>> -> memref<125x128xf32, #tpu.memory_space<vmem_shared>>
        %dma_start3A_46 = arith.constant 0 : i32
        %dma_start3A_47 = arith.constant 0 : i32
        %dma_start3A_48 = tpu.memref_slice %arg8[%dma_start3A_46, %dma_start3A_47] : memref<125x128xf32, #tpu.memory_space<vmem>> -> memref<125x128xf32, #tpu.memory_space<vmem>>
        tpu.enqueue_dma source(%dma_start3A_48 : memref<125x128xf32, #tpu.memory_space<vmem>>) target(%dma_start3A_45 : memref<125x128xf32, #tpu.memory_space<vmem_shared>>) target_semaphore(%run_scoped3A : memref<!tpu.dma_semaphore, #tpu.memory_space<semaphore_mem>>)
        %dma_wait3A = arith.constant 0 : i32
        %dma_wait3A_49 = arith.constant 0 : i32
        %dma_wait3A_50 = tpu.memref_slice %arg8[%dma_wait3A, %dma_wait3A_49] : memref<125x128xf32, #tpu.memory_space<vmem>> -> memref<125x128xf32, #tpu.memory_space<vmem>>
        %dma_wait3A_51 = arith.constant 0 : i32
        %dma_wait3A_52 = tpu.memref_slice %arg10[%add3A_36, %dma_wait3A_51] : memref<10000x128xf32, #tpu.memory_space<vmem_shared>> -> memref<125x128xf32, #tpu.memory_space<vmem_shared>>
        %dma_wait3A_53 = arith.constant 0 : i32
        %dma_wait3A_54 = tpu.memref_slice %arg10[%add3A_36, %dma_wait3A_53] : memref<10000x128xf32, #tpu.memory_space<vmem_shared>> -> memref<125x128xf32, #tpu.memory_space<vmem_shared>>
        %dma_wait3A_55 = arith.constant 0 : i32
        %dma_wait3A_56 = arith.constant 0 : i32
        %dma_wait3A_57 = tpu.memref_slice %arg8[%dma_wait3A_55, %dma_wait3A_56] : memref<125x128xf32, #tpu.memory_space<vmem>> -> memref<125x128xf32, #tpu.memory_space<vmem>>
        tpu.wait_dma2 semaphore(%run_scoped3A : memref<!tpu.dma_semaphore, #tpu.memory_space<semaphore_mem>>) src(%dma_wait3A_57 : memref<125x128xf32, #tpu.memory_space<vmem>>) dst(%dma_wait3A_54 : memref<125x128xf32, #tpu.memory_space<vmem_shared>>)
        tpu.yield
      }) : () -> ()
      %mul3A_37 = arith.constant 125 : i32
      %mul3A_38 = arith.muli %scan3A_33, %mul3A_37 : i32
      %add3A_39 = arith.addi %mul3A_2, %mul3A_38 : i32
      "tpu.region"() ({
        %run_scoped3A = tpu.sem_alloc : memref<!tpu.dma_semaphore, #tpu.memory_space<semaphore_mem>>
        %dma_start3A = arith.constant 0 : i32
        %dma_start3A_40 = arith.constant 0 : i32
        %dma_start3A_41 = tpu.memref_slice %arg9[%dma_start3A, %dma_start3A_40] : memref<125x16xf32, #tpu.memory_space<vmem>> -> memref<125x16xf32, #tpu.memory_space<vmem>>
        %dma_start3A_42 = arith.constant 0 : i32
        %dma_start3A_43 = tpu.memref_slice %arg11[%add3A_39, %dma_start3A_42] : memref<10000x16xf32, #tpu.memory_space<vmem_shared>> -> memref<125x16xf32, #tpu.memory_space<vmem_shared>>
        %dma_start3A_44 = arith.constant 0 : i32
        %dma_start3A_45 = tpu.memref_slice %arg11[%add3A_39, %dma_start3A_44] : memref<10000x16xf32, #tpu.memory_space<vmem_shared>> -> memref<125x16xf32, #tpu.memory_space<vmem_shared>>
        %dma_start3A_46 = arith.constant 0 : i32
        %dma_start3A_47 = arith.constant 0 : i32
        %dma_start3A_48 = tpu.memref_slice %arg9[%dma_start3A_46, %dma_start3A_47] : memref<125x16xf32, #tpu.memory_space<vmem>> -> memref<125x16xf32, #tpu.memory_space<vmem>>
        tpu.enqueue_dma source(%dma_start3A_48 : memref<125x16xf32, #tpu.memory_space<vmem>>) target(%dma_start3A_45 : memref<125x16xf32, #tpu.memory_space<vmem_shared>>) target_semaphore(%run_scoped3A : memref<!tpu.dma_semaphore, #tpu.memory_space<semaphore_mem>>)
        %dma_wait3A = arith.constant 0 : i32
        %dma_wait3A_49 = arith.constant 0 : i32
        %dma_wait3A_50 = tpu.memref_slice %arg9[%dma_wait3A, %dma_wait3A_49] : memref<125x16xf32, #tpu.memory_space<vmem>> -> memref<125x16xf32, #tpu.memory_space<vmem>>
        %dma_wait3A_51 = arith.constant 0 : i32
        %dma_wait3A_52 = tpu.memref_slice %arg11[%add3A_39, %dma_wait3A_51] : memref<10000x16xf32, #tpu.memory_space<vmem_shared>> -> memref<125x16xf32, #tpu.memory_space<vmem_shared>>
        %dma_wait3A_53 = arith.constant 0 : i32
        %dma_wait3A_54 = tpu.memref_slice %arg11[%add3A_39, %dma_wait3A_53] : memref<10000x16xf32, #tpu.memory_space<vmem_shared>> -> memref<125x16xf32, #tpu.memory_space<vmem_shared>>
        %dma_wait3A_55 = arith.constant 0 : i32
        %dma_wait3A_56 = arith.constant 0 : i32
        %dma_wait3A_57 = tpu.memref_slice %arg9[%dma_wait3A_55, %dma_wait3A_56] : memref<125x16xf32, #tpu.memory_space<vmem>> -> memref<125x16xf32, #tpu.memory_space<vmem>>
        tpu.wait_dma2 semaphore(%run_scoped3A : memref<!tpu.dma_semaphore, #tpu.memory_space<semaphore_mem>>) src(%dma_wait3A_57 : memref<125x16xf32, #tpu.memory_space<vmem>>) dst(%dma_wait3A_54 : memref<125x16xf32, #tpu.memory_space<vmem_shared>>)
        tpu.yield
      }) : () -> ()
    }
    %scan3A_19 = arith.constant 5 : i32
    %barrier3A = arith.constant 0 : index
    tpu.barrier barrier_id(%barrier3A)
    %scan3A_20 = arith.constant 0 : i32
    %scan3A_21 = arith.constant 0 : i32
    %scan3A_22 = arith.constant 125 : i32
    %scan3A_23 = arith.addi %scan3A_21, %scan3A_22 : i32
    %scan3A_24 = arith.constant 1 : i32
    scf.for %scan3A_33 = %scan3A_21 to %scan3A_23 step %scan3A_24  : i32 {
      %mul3A_34 = arith.constant 10000 : i32
      %mul3A_35 = arith.muli %add3A, %mul3A_34 : i32
      %mul3A_36 = arith.constant 80 : i32
      %mul3A_37 = arith.muli %scan3A_33, %mul3A_36 : i32
      %add3A_38 = arith.addi %mul3A_35, %mul3A_37 : i32
      %multiple_of3A = tpu.assume_multiple %add3A_38, 8 : i32
      "tpu.region"() ({
        %run_scoped3A = tpu.sem_alloc : memref<!tpu.dma_semaphore, #tpu.memory_space<semaphore_mem>>
        %dma_start3A_61 = tpu.memref_slice %arg2[%multiple_of3A] : memref<320000xi32, #tpu.memory_space<hbm>> -> memref<80xi32, #tpu.memory_space<hbm>>
        %dma_start3A_62 = tpu.memref_slice %arg2[%multiple_of3A] : memref<320000xi32, #tpu.memory_space<hbm>> -> memref<80xi32, #tpu.memory_space<hbm>>
        tpu.enqueue_dma source(%dma_start3A_62 : memref<80xi32, #tpu.memory_space<hbm>>) target(%arg7 : memref<80xi32, #tpu.memory_space<vmem>>) target_semaphore(%run_scoped3A : memref<!tpu.dma_semaphore, #tpu.memory_space<semaphore_mem>>)
        %dma_wait3A_63 = tpu.memref_slice %arg2[%multiple_of3A] : memref<320000xi32, #tpu.memory_space<hbm>> -> memref<80xi32, #tpu.memory_space<hbm>>
        %dma_wait3A_64 = tpu.memref_slice %arg2[%multiple_of3A] : memref<320000xi32, #tpu.memory_space<hbm>> -> memref<80xi32, #tpu.memory_space<hbm>>
        tpu.wait_dma2 semaphore(%run_scoped3A : memref<!tpu.dma_semaphore, #tpu.memory_space<semaphore_mem>>) src(%dma_wait3A_64 : memref<80xi32, #tpu.memory_space<hbm>>) dst(%arg7 : memref<80xi32, #tpu.memory_space<vmem>>)
        tpu.yield
      }) : () -> ()
      "tpu.region"() ({
        %run_scoped3A = tpu.sem_alloc : memref<!tpu.dma_semaphore, #tpu.memory_space<semaphore_mem>>
        %dma_start3A_61 = arith.constant 0 : i32
        %dma_start3A_62 = arith.constant 0 : i32
        %dma_start3A_63 = tpu.memref_slice %arg8[%dma_start3A_61, %dma_start3A_62] : memref<125x128xf32, #tpu.memory_space<vmem>> -> memref<80x128xf32, #tpu.memory_space<vmem>>
        %dma_start3A_64 = arith.constant 0 : i32
        %dma_start3A_65 = tpu.memref_slice %arg3[%multiple_of3A, %dma_start3A_64] : memref<320000x128xf32, #tpu.memory_space<hbm>> -> memref<80x128xf32, #tpu.memory_space<hbm>>
        %dma_start3A_66 = arith.constant 0 : i32
        %dma_start3A_67 = arith.constant 0 : i32
        %dma_start3A_68 = tpu.memref_slice %arg8[%dma_start3A_66, %dma_start3A_67] : memref<125x128xf32, #tpu.memory_space<vmem>> -> memref<80x128xf32, #tpu.memory_space<vmem>>
        %dma_start3A_69 = arith.constant 0 : i32
        %dma_start3A_70 = tpu.memref_slice %arg3[%multiple_of3A, %dma_start3A_69] : memref<320000x128xf32, #tpu.memory_space<hbm>> -> memref<80x128xf32, #tpu.memory_space<hbm>>
        tpu.enqueue_dma source(%dma_start3A_70 : memref<80x128xf32, #tpu.memory_space<hbm>>) target(%dma_start3A_68 : memref<80x128xf32, #tpu.memory_space<vmem>>) target_semaphore(%run_scoped3A : memref<!tpu.dma_semaphore, #tpu.memory_space<semaphore_mem>>)
        %dma_wait3A_71 = arith.constant 0 : i32
        %dma_wait3A_72 = arith.constant 0 : i32
        %dma_wait3A_73 = tpu.memref_slice %arg8[%dma_wait3A_71, %dma_wait3A_72] : memref<125x128xf32, #tpu.memory_space<vmem>> -> memref<80x128xf32, #tpu.memory_space<vmem>>
        %dma_wait3A_74 = arith.constant 0 : i32
        %dma_wait3A_75 = tpu.memref_slice %arg3[%multiple_of3A, %dma_wait3A_74] : memref<320000x128xf32, #tpu.memory_space<hbm>> -> memref<80x128xf32, #tpu.memory_space<hbm>>
        %dma_wait3A_76 = arith.constant 0 : i32
        %dma_wait3A_77 = arith.constant 0 : i32
        %dma_wait3A_78 = tpu.memref_slice %arg8[%dma_wait3A_76, %dma_wait3A_77] : memref<125x128xf32, #tpu.memory_space<vmem>> -> memref<80x128xf32, #tpu.memory_space<vmem>>
        %dma_wait3A_79 = arith.constant 0 : i32
        %dma_wait3A_80 = tpu.memref_slice %arg3[%multiple_of3A, %dma_wait3A_79] : memref<320000x128xf32, #tpu.memory_space<hbm>> -> memref<80x128xf32, #tpu.memory_space<hbm>>
        tpu.wait_dma2 semaphore(%run_scoped3A : memref<!tpu.dma_semaphore, #tpu.memory_space<semaphore_mem>>) src(%dma_wait3A_80 : memref<80x128xf32, #tpu.memory_space<hbm>>) dst(%dma_wait3A_78 : memref<80x128xf32, #tpu.memory_space<vmem>>)
        tpu.yield
      }) : () -> ()
      "tpu.region"() ({
        %run_scoped3A = tpu.sem_alloc : memref<!tpu.dma_semaphore, #tpu.memory_space<semaphore_mem>>
        %dma_start3A_61 = arith.constant 0 : i32
        %dma_start3A_62 = arith.constant 0 : i32
        %dma_start3A_63 = tpu.memref_slice %arg9[%dma_start3A_61, %dma_start3A_62] : memref<125x16xf32, #tpu.memory_space<vmem>> -> memref<80x16xf32, #tpu.memory_space<vmem>>
        %dma_start3A_64 = arith.constant 0 : i32
        %dma_start3A_65 = tpu.memref_slice %arg4[%multiple_of3A, %dma_start3A_64] : memref<320000x16xf32, #tpu.memory_space<hbm>> -> memref<80x16xf32, #tpu.memory_space<hbm>>
        %dma_start3A_66 = arith.constant 0 : i32
        %dma_start3A_67 = arith.constant 0 : i32
        %dma_start3A_68 = tpu.memref_slice %arg9[%dma_start3A_66, %dma_start3A_67] : memref<125x16xf32, #tpu.memory_space<vmem>> -> memref<80x16xf32, #tpu.memory_space<vmem>>
        %dma_start3A_69 = arith.constant 0 : i32
        %dma_start3A_70 = tpu.memref_slice %arg4[%multiple_of3A, %dma_start3A_69] : memref<320000x16xf32, #tpu.memory_space<hbm>> -> memref<80x16xf32, #tpu.memory_space<hbm>>
        tpu.enqueue_dma source(%dma_start3A_70 : memref<80x16xf32, #tpu.memory_space<hbm>>) target(%dma_start3A_68 : memref<80x16xf32, #tpu.memory_space<vmem>>) target_semaphore(%run_scoped3A : memref<!tpu.dma_semaphore, #tpu.memory_space<semaphore_mem>>)
        %dma_wait3A_71 = arith.constant 0 : i32
        %dma_wait3A_72 = arith.constant 0 : i32
        %dma_wait3A_73 = tpu.memref_slice %arg9[%dma_wait3A_71, %dma_wait3A_72] : memref<125x16xf32, #tpu.memory_space<vmem>> -> memref<80x16xf32, #tpu.memory_space<vmem>>
        %dma_wait3A_74 = arith.constant 0 : i32
        %dma_wait3A_75 = tpu.memref_slice %arg4[%multiple_of3A, %dma_wait3A_74] : memref<320000x16xf32, #tpu.memory_space<hbm>> -> memref<80x16xf32, #tpu.memory_space<hbm>>
        %dma_wait3A_76 = arith.constant 0 : i32
        %dma_wait3A_77 = arith.constant 0 : i32
        %dma_wait3A_78 = tpu.memref_slice %arg9[%dma_wait3A_76, %dma_wait3A_77] : memref<125x16xf32, #tpu.memory_space<vmem>> -> memref<80x16xf32, #tpu.memory_space<vmem>>
        %dma_wait3A_79 = arith.constant 0 : i32
        %dma_wait3A_80 = tpu.memref_slice %arg4[%multiple_of3A, %dma_wait3A_79] : memref<320000x16xf32, #tpu.memory_space<hbm>> -> memref<80x16xf32, #tpu.memory_space<hbm>>
        tpu.wait_dma2 semaphore(%run_scoped3A : memref<!tpu.dma_semaphore, #tpu.memory_space<semaphore_mem>>) src(%dma_wait3A_80 : memref<80x16xf32, #tpu.memory_space<hbm>>) dst(%dma_wait3A_78 : memref<80x16xf32, #tpu.memory_space<vmem>>)
        tpu.yield
      }) : () -> ()
      %dma_start3A = arith.constant 0 : i32
      %dma_start3A_39 = arith.constant 0 : i32
      %dma_start3A_40 = tpu.memref_slice %arg8[%dma_start3A, %dma_start3A_39] : memref<125x128xf32, #tpu.memory_space<vmem>> -> memref<80x128xf32, #tpu.memory_space<vmem>>
      %dma_start3A_41 = arith.constant 0 : i32
      %dma_start3A_42 = arith.constant 0 : i32
      %dma_start3A_43 = tpu.memref_slice %arg10[%dma_start3A_41, %dma_start3A_42] : memref<10000x128xf32, #tpu.memory_space<vmem_shared>> -> memref<10000x128xf32, #tpu.memory_space<vmem_shared>>
      tpu.enqueue_indirect_dma source(%dma_start3A_40 : memref<80x128xf32, #tpu.memory_space<vmem>>) target(%dma_start3A_43 : memref<10000x128xf32, #tpu.memory_space<vmem_shared>>) offsets(%arg7 : memref<80xi32, #tpu.memory_space<vmem>>) semaphore(%arg12 : memref<!tpu.dma_semaphore, #tpu.memory_space<semaphore_mem>>) {add = true}
      %dma_start3A_44 = arith.constant 0 : i32
      %dma_start3A_45 = arith.constant 0 : i32
      %dma_start3A_46 = tpu.memref_slice %arg9[%dma_start3A_44, %dma_start3A_45] : memref<125x16xf32, #tpu.memory_space<vmem>> -> memref<80x16xf32, #tpu.memory_space<vmem>>
      %dma_start3A_47 = arith.constant 0 : i32
      %dma_start3A_48 = arith.constant 0 : i32
      %dma_start3A_49 = tpu.memref_slice %arg11[%dma_start3A_47, %dma_start3A_48] : memref<10000x16xf32, #tpu.memory_space<vmem_shared>> -> memref<10000x16xf32, #tpu.memory_space<vmem_shared>>
      tpu.enqueue_indirect_dma source(%dma_start3A_46 : memref<80x16xf32, #tpu.memory_space<vmem>>) target(%dma_start3A_49 : memref<10000x16xf32, #tpu.memory_space<vmem_shared>>) offsets(%arg7 : memref<80xi32, #tpu.memory_space<vmem>>) semaphore(%arg13 : memref<!tpu.dma_semaphore, #tpu.memory_space<semaphore_mem>>) {add = true}
      %dma_wait3A = arith.constant 0 : i32
      %dma_wait3A_50 = arith.constant 0 : i32
      %dma_wait3A_51 = tpu.memref_slice %arg8[%dma_wait3A, %dma_wait3A_50] : memref<125x128xf32, #tpu.memory_space<vmem>> -> memref<80x128xf32, #tpu.memory_space<vmem>>
      %dma_wait3A_52 = arith.constant 0 : i32
      %dma_wait3A_53 = arith.constant 0 : i32
      %dma_wait3A_54 = tpu.memref_slice %arg10[%dma_wait3A_52, %dma_wait3A_53] : memref<10000x128xf32, #tpu.memory_space<vmem_shared>> -> memref<10000x128xf32, #tpu.memory_space<vmem_shared>>
      tpu.wait_indirect_dma semaphore(%arg12 : memref<!tpu.dma_semaphore, #tpu.memory_space<semaphore_mem>>) src(%dma_wait3A_51 : memref<80x128xf32, #tpu.memory_space<vmem>>) dst(%dma_wait3A_54 : memref<10000x128xf32, #tpu.memory_space<vmem_shared>>)
      %dma_wait3A_55 = arith.constant 0 : i32
      %dma_wait3A_56 = arith.constant 0 : i32
      %dma_wait3A_57 = tpu.memref_slice %arg9[%dma_wait3A_55, %dma_wait3A_56] : memref<125x16xf32, #tpu.memory_space<vmem>> -> memref<80x16xf32, #tpu.memory_space<vmem>>
      %dma_wait3A_58 = arith.constant 0 : i32
      %dma_wait3A_59 = arith.constant 0 : i32
      %dma_wait3A_60 = tpu.memref_slice %arg11[%dma_wait3A_58, %dma_wait3A_59] : memref<10000x16xf32, #tpu.memory_space<vmem_shared>> -> memref<10000x16xf32, #tpu.memory_space<vmem_shared>>
      tpu.wait_indirect_dma semaphore(%arg13 : memref<!tpu.dma_semaphore, #tpu.memory_space<semaphore_mem>>) src(%dma_wait3A_57 : memref<80x16xf32, #tpu.memory_space<vmem>>) dst(%dma_wait3A_60 : memref<10000x16xf32, #tpu.memory_space<vmem_shared>>)
    }
    %scan3A_25 = arith.constant 125 : i32
    %barrier3A_26 = arith.constant 0 : index
    tpu.barrier barrier_id(%barrier3A_26)
    %scan3A_27 = arith.constant 0 : i32
    %scan3A_28 = arith.constant 0 : i32
    %scan3A_29 = arith.constant 5 : i32
    %scan3A_30 = arith.addi %scan3A_28, %scan3A_29 : i32
    %scan3A_31 = arith.constant 1 : i32
    scf.for %scan3A_33 = %scan3A_28 to %scan3A_30 step %scan3A_31  : i32 {
      %mul3A_34 = arith.constant 125 : i32
      %mul3A_35 = arith.muli %scan3A_33, %mul3A_34 : i32
      %add3A_36 = arith.addi %mul3A_2, %mul3A_35 : i32
      "tpu.region"() ({
        %run_scoped3A = tpu.sem_alloc : memref<!tpu.dma_semaphore, #tpu.memory_space<semaphore_mem>>
        %dma_start3A = arith.constant 0 : i32
        %dma_start3A_37 = arith.constant 0 : i32
        %dma_start3A_38 = tpu.memref_slice %arg8[%dma_start3A, %dma_start3A_37] : memref<125x128xf32, #tpu.memory_space<vmem>> -> memref<125x128xf32, #tpu.memory_space<vmem>>
        %dma_start3A_39 = arith.constant 0 : i32
        %dma_start3A_40 = tpu.memref_slice %arg10[%add3A_36, %dma_start3A_39] : memref<10000x128xf32, #tpu.memory_space<vmem_shared>> -> memref<125x128xf32, #tpu.memory_space<vmem_shared>>
        %dma_start3A_41 = arith.constant 0 : i32
        %dma_start3A_42 = arith.constant 0 : i32
        %dma_start3A_43 = tpu.memref_slice %arg8[%dma_start3A_41, %dma_start3A_42] : memref<125x128xf32, #tpu.memory_space<vmem>> -> memref<125x128xf32, #tpu.memory_space<vmem>>
        %dma_start3A_44 = arith.constant 0 : i32
        %dma_start3A_45 = tpu.memref_slice %arg10[%add3A_36, %dma_start3A_44] : memref<10000x128xf32, #tpu.memory_space<vmem_shared>> -> memref<125x128xf32, #tpu.memory_space<vmem_shared>>
        tpu.enqueue_dma source(%dma_start3A_45 : memref<125x128xf32, #tpu.memory_space<vmem_shared>>) target(%dma_start3A_43 : memref<125x128xf32, #tpu.memory_space<vmem>>) target_semaphore(%run_scoped3A : memref<!tpu.dma_semaphore, #tpu.memory_space<semaphore_mem>>)
        %dma_wait3A = arith.constant 0 : i32
        %dma_wait3A_46 = arith.constant 0 : i32
        %dma_wait3A_47 = tpu.memref_slice %arg8[%dma_wait3A, %dma_wait3A_46] : memref<125x128xf32, #tpu.memory_space<vmem>> -> memref<125x128xf32, #tpu.memory_space<vmem>>
        %dma_wait3A_48 = arith.constant 0 : i32
        %dma_wait3A_49 = tpu.memref_slice %arg10[%add3A_36, %dma_wait3A_48] : memref<10000x128xf32, #tpu.memory_space<vmem_shared>> -> memref<125x128xf32, #tpu.memory_space<vmem_shared>>
        %dma_wait3A_50 = arith.constant 0 : i32
        %dma_wait3A_51 = arith.constant 0 : i32
        %dma_wait3A_52 = tpu.memref_slice %arg8[%dma_wait3A_50, %dma_wait3A_51] : memref<125x128xf32, #tpu.memory_space<vmem>> -> memref<125x128xf32, #tpu.memory_space<vmem>>
        %dma_wait3A_53 = arith.constant 0 : i32
        %dma_wait3A_54 = tpu.memref_slice %arg10[%add3A_36, %dma_wait3A_53] : memref<10000x128xf32, #tpu.memory_space<vmem_shared>> -> memref<125x128xf32, #tpu.memory_space<vmem_shared>>
        tpu.wait_dma2 semaphore(%run_scoped3A : memref<!tpu.dma_semaphore, #tpu.memory_space<semaphore_mem>>) src(%dma_wait3A_54 : memref<125x128xf32, #tpu.memory_space<vmem_shared>>) dst(%dma_wait3A_52 : memref<125x128xf32, #tpu.memory_space<vmem>>)
        tpu.yield
      }) : () -> ()
      "tpu.region"() ({
        %run_scoped3A = tpu.sem_alloc : memref<!tpu.dma_semaphore, #tpu.memory_space<semaphore_mem>>
        %dma_start3A = arith.constant 0 : i32
        %dma_start3A_37 = arith.constant 0 : i32
        %dma_start3A_38 = tpu.memref_slice %arg8[%dma_start3A, %dma_start3A_37] : memref<125x128xf32, #tpu.memory_space<vmem>> -> memref<125x128xf32, #tpu.memory_space<vmem>>
        %dma_start3A_39 = arith.constant 0 : i32
        %dma_start3A_40 = tpu.memref_slice %arg5[%arg0, %add3A_36, %dma_start3A_39] : memref<2x10000x128xf32, #tpu.memory_space<hbm>> -> memref<1x125x128xf32, #tpu.memory_space<hbm>>
        %dma_start3A_41 = tpu.memref_squeeze %dma_start3A_40 : memref<1x125x128xf32, #tpu.memory_space<hbm>> -> memref<125x128xf32, #tpu.memory_space<hbm>>
        %dma_start3A_42 = arith.constant 0 : i32
        %dma_start3A_43 = tpu.memref_slice %arg5[%arg0, %add3A_36, %dma_start3A_42] : memref<2x10000x128xf32, #tpu.memory_space<hbm>> -> memref<1x125x128xf32, #tpu.memory_space<hbm>>
        %dma_start3A_44 = tpu.memref_squeeze %dma_start3A_43 : memref<1x125x128xf32, #tpu.memory_space<hbm>> -> memref<125x128xf32, #tpu.memory_space<hbm>>
        %dma_start3A_45 = arith.constant 0 : i32
        %dma_start3A_46 = arith.constant 0 : i32
        %dma_start3A_47 = tpu.memref_slice %arg8[%dma_start3A_45, %dma_start3A_46] : memref<125x128xf32, #tpu.memory_space<vmem>> -> memref<125x128xf32, #tpu.memory_space<vmem>>
        tpu.enqueue_dma source(%dma_start3A_47 : memref<125x128xf32, #tpu.memory_space<vmem>>) target(%dma_start3A_44 : memref<125x128xf32, #tpu.memory_space<hbm>>) target_semaphore(%run_scoped3A : memref<!tpu.dma_semaphore, #tpu.memory_space<semaphore_mem>>)
        %dma_wait3A = arith.constant 0 : i32
        %dma_wait3A_48 = arith.constant 0 : i32
        %dma_wait3A_49 = tpu.memref_slice %arg8[%dma_wait3A, %dma_wait3A_48] : memref<125x128xf32, #tpu.memory_space<vmem>> -> memref<125x128xf32, #tpu.memory_space<vmem>>
        %dma_wait3A_50 = arith.constant 0 : i32
        %dma_wait3A_51 = tpu.memref_slice %arg5[%arg0, %add3A_36, %dma_wait3A_50] : memref<2x10000x128xf32, #tpu.memory_space<hbm>> -> memref<1x125x128xf32, #tpu.memory_space<hbm>>
        %dma_wait3A_52 = tpu.memref_squeeze %dma_wait3A_51 : memref<1x125x128xf32, #tpu.memory_space<hbm>> -> memref<125x128xf32, #tpu.memory_space<hbm>>
        %dma_wait3A_53 = arith.constant 0 : i32
        %dma_wait3A_54 = tpu.memref_slice %arg5[%arg0, %add3A_36, %dma_wait3A_53] : memref<2x10000x128xf32, #tpu.memory_space<hbm>> -> memref<1x125x128xf32, #tpu.memory_space<hbm>>
        %dma_wait3A_55 = tpu.memref_squeeze %dma_wait3A_54 : memref<1x125x128xf32, #tpu.memory_space<hbm>> -> memref<125x128xf32, #tpu.memory_space<hbm>>
        %dma_wait3A_56 = arith.constant 0 : i32
        %dma_wait3A_57 = arith.constant 0 : i32
        %dma_wait3A_58 = tpu.memref_slice %arg8[%dma_wait3A_56, %dma_wait3A_57] : memref<125x128xf32, #tpu.memory_space<vmem>> -> memref<125x128xf32, #tpu.memory_space<vmem>>
        tpu.wait_dma2 semaphore(%run_scoped3A : memref<!tpu.dma_semaphore, #tpu.memory_space<semaphore_mem>>) src(%dma_wait3A_58 : memref<125x128xf32, #tpu.memory_space<vmem>>) dst(%dma_wait3A_55 : memref<125x128xf32, #tpu.memory_space<hbm>>)
        tpu.yield
      }) : () -> ()
      "tpu.region"() ({
        %run_scoped3A = tpu.sem_alloc : memref<!tpu.dma_semaphore, #tpu.memory_space<semaphore_mem>>
        %dma_start3A = arith.constant 0 : i32
        %dma_start3A_37 = arith.constant 0 : i32
        %dma_start3A_38 = tpu.memref_slice %arg9[%dma_start3A, %dma_start3A_37] : memref<125x16xf32, #tpu.memory_space<vmem>> -> memref<125x16xf32, #tpu.memory_space<vmem>>
        %dma_start3A_39 = arith.constant 0 : i32
        %dma_start3A_40 = tpu.memref_slice %arg11[%add3A_36, %dma_start3A_39] : memref<10000x16xf32, #tpu.memory_space<vmem_shared>> -> memref<125x16xf32, #tpu.memory_space<vmem_shared>>
        %dma_start3A_41 = arith.constant 0 : i32
        %dma_start3A_42 = arith.constant 0 : i32
        %dma_start3A_43 = tpu.memref_slice %arg9[%dma_start3A_41, %dma_start3A_42] : memref<125x16xf32, #tpu.memory_space<vmem>> -> memref<125x16xf32, #tpu.memory_space<vmem>>
        %dma_start3A_44 = arith.constant 0 : i32
        %dma_start3A_45 = tpu.memref_slice %arg11[%add3A_36, %dma_start3A_44] : memref<10000x16xf32, #tpu.memory_space<vmem_shared>> -> memref<125x16xf32, #tpu.memory_space<vmem_shared>>
        tpu.enqueue_dma source(%dma_start3A_45 : memref<125x16xf32, #tpu.memory_space<vmem_shared>>) target(%dma_start3A_43 : memref<125x16xf32, #tpu.memory_space<vmem>>) target_semaphore(%run_scoped3A : memref<!tpu.dma_semaphore, #tpu.memory_space<semaphore_mem>>)
        %dma_wait3A = arith.constant 0 : i32
        %dma_wait3A_46 = arith.constant 0 : i32
        %dma_wait3A_47 = tpu.memref_slice %arg9[%dma_wait3A, %dma_wait3A_46] : memref<125x16xf32, #tpu.memory_space<vmem>> -> memref<125x16xf32, #tpu.memory_space<vmem>>
        %dma_wait3A_48 = arith.constant 0 : i32
        %dma_wait3A_49 = tpu.memref_slice %arg11[%add3A_36, %dma_wait3A_48] : memref<10000x16xf32, #tpu.memory_space<vmem_shared>> -> memref<125x16xf32, #tpu.memory_space<vmem_shared>>
        %dma_wait3A_50 = arith.constant 0 : i32
        %dma_wait3A_51 = arith.constant 0 : i32
        %dma_wait3A_52 = tpu.memref_slice %arg9[%dma_wait3A_50, %dma_wait3A_51] : memref<125x16xf32, #tpu.memory_space<vmem>> -> memref<125x16xf32, #tpu.memory_space<vmem>>
        %dma_wait3A_53 = arith.constant 0 : i32
        %dma_wait3A_54 = tpu.memref_slice %arg11[%add3A_36, %dma_wait3A_53] : memref<10000x16xf32, #tpu.memory_space<vmem_shared>> -> memref<125x16xf32, #tpu.memory_space<vmem_shared>>
        tpu.wait_dma2 semaphore(%run_scoped3A : memref<!tpu.dma_semaphore, #tpu.memory_space<semaphore_mem>>) src(%dma_wait3A_54 : memref<125x16xf32, #tpu.memory_space<vmem_shared>>) dst(%dma_wait3A_52 : memref<125x16xf32, #tpu.memory_space<vmem>>)
        tpu.yield
      }) : () -> ()
      "tpu.region"() ({
        %run_scoped3A = tpu.sem_alloc : memref<!tpu.dma_semaphore, #tpu.memory_space<semaphore_mem>>
        %dma_start3A = arith.constant 0 : i32
        %dma_start3A_37 = arith.constant 0 : i32
        %dma_start3A_38 = tpu.memref_slice %arg9[%dma_start3A, %dma_start3A_37] : memref<125x16xf32, #tpu.memory_space<vmem>> -> memref<125x16xf32, #tpu.memory_space<vmem>>
        %dma_start3A_39 = arith.constant 0 : i32
        %dma_start3A_40 = tpu.memref_slice %arg6[%arg0, %add3A_36, %dma_start3A_39] : memref<2x10000x16xf32, #tpu.memory_space<hbm>> -> memref<1x125x16xf32, #tpu.memory_space<hbm>>
        %dma_start3A_41 = tpu.memref_squeeze %dma_start3A_40 : memref<1x125x16xf32, #tpu.memory_space<hbm>> -> memref<125x16xf32, #tpu.memory_space<hbm>>
        %dma_start3A_42 = arith.constant 0 : i32
        %dma_start3A_43 = tpu.memref_slice %arg6[%arg0, %add3A_36, %dma_start3A_42] : memref<2x10000x16xf32, #tpu.memory_space<hbm>> -> memref<1x125x16xf32, #tpu.memory_space<hbm>>
        %dma_start3A_44 = tpu.memref_squeeze %dma_start3A_43 : memref<1x125x16xf32, #tpu.memory_space<hbm>> -> memref<125x16xf32, #tpu.memory_space<hbm>>
        %dma_start3A_45 = arith.constant 0 : i32
        %dma_start3A_46 = arith.constant 0 : i32
        %dma_start3A_47 = tpu.memref_slice %arg9[%dma_start3A_45, %dma_start3A_46] : memref<125x16xf32, #tpu.memory_space<vmem>> -> memref<125x16xf32, #tpu.memory_space<vmem>>
        tpu.enqueue_dma source(%dma_start3A_47 : memref<125x16xf32, #tpu.memory_space<vmem>>) target(%dma_start3A_44 : memref<125x16xf32, #tpu.memory_space<hbm>>) target_semaphore(%run_scoped3A : memref<!tpu.dma_semaphore, #tpu.memory_space<semaphore_mem>>)
        %dma_wait3A = arith.constant 0 : i32
        %dma_wait3A_48 = arith.constant 0 : i32
        %dma_wait3A_49 = tpu.memref_slice %arg9[%dma_wait3A, %dma_wait3A_48] : memref<125x16xf32, #tpu.memory_space<vmem>> -> memref<125x16xf32, #tpu.memory_space<vmem>>
        %dma_wait3A_50 = arith.constant 0 : i32
        %dma_wait3A_51 = tpu.memref_slice %arg6[%arg0, %add3A_36, %dma_wait3A_50] : memref<2x10000x16xf32, #tpu.memory_space<hbm>> -> memref<1x125x16xf32, #tpu.memory_space<hbm>>
        %dma_wait3A_52 = tpu.memref_squeeze %dma_wait3A_51 : memref<1x125x16xf32, #tpu.memory_space<hbm>> -> memref<125x16xf32, #tpu.memory_space<hbm>>
        %dma_wait3A_53 = arith.constant 0 : i32
        %dma_wait3A_54 = tpu.memref_slice %arg6[%arg0, %add3A_36, %dma_wait3A_53] : memref<2x10000x16xf32, #tpu.memory_space<hbm>> -> memref<1x125x16xf32, #tpu.memory_space<hbm>>
        %dma_wait3A_55 = tpu.memref_squeeze %dma_wait3A_54 : memref<1x125x16xf32, #tpu.memory_space<hbm>> -> memref<125x16xf32, #tpu.memory_space<hbm>>
        %dma_wait3A_56 = arith.constant 0 : i32
        %dma_wait3A_57 = arith.constant 0 : i32
        %dma_wait3A_58 = tpu.memref_slice %arg9[%dma_wait3A_56, %dma_wait3A_57] : memref<125x16xf32, #tpu.memory_space<vmem>> -> memref<125x16xf32, #tpu.memory_space<vmem>>
        tpu.wait_dma2 semaphore(%run_scoped3A : memref<!tpu.dma_semaphore, #tpu.memory_space<semaphore_mem>>) src(%dma_wait3A_58 : memref<125x16xf32, #tpu.memory_space<vmem>>) dst(%dma_wait3A_55 : memref<125x16xf32, #tpu.memory_space<hbm>>)
        tpu.yield
      }) : () -> ()
    }
    %scan3A_32 = arith.constant 5 : i32
    return
  }
}

module attributes {stable_mosaic.version = 14 : i64} {
  func.func @body(%arg0: i32, %arg1: memref<1000x128xf32, #tpu.memory_space<vmem>>, %arg2: memref<1000x3xf32, #tpu.memory_space<vmem>>, %arg3: memref<128x128xf32, #tpu.memory_space<vmem>>, %arg4: memref<1x128xf32, #tpu.memory_space<vmem>>, %arg5: memref<128x128xf32, #tpu.memory_space<vmem>>, %arg6: memref<1x128xf32, #tpu.memory_space<vmem>>, %arg7: memref<1000x128xf32, #tpu.memory_space<vmem>>, %arg8: memref<1000x128xf32, #tpu.memory_space<vmem>>, %arg9: memref<1000x16xf32, #tpu.memory_space<vmem>>) attributes {dimension_semantics = [#tpu.dimension_semantics<arbitrary>], iteration_bounds = array<i64: 10>, scalar_prefetch = 0 : i64, scratch_operands = 0 : i64, tpu.core_type = #tpu.core_type<tc>, window_params = [{transform_indices = @transform_0, window_bounds = array<i64: 1000, 128>}, {transform_indices = @transform_1, window_bounds = array<i64: 1000, 3>}, {pipeline_mode = #tpu.pipeline_mode<synchronous>, transform_indices = @transform_2, window_bounds = array<i64: 128, 128>}, {pipeline_mode = #tpu.pipeline_mode<synchronous>, transform_indices = @transform_3, window_bounds = array<i64: 1, 128>}, {pipeline_mode = #tpu.pipeline_mode<synchronous>, transform_indices = @transform_4, window_bounds = array<i64: 128, 128>}, {pipeline_mode = #tpu.pipeline_mode<synchronous>, transform_indices = @transform_5, window_bounds = array<i64: 1, 128>}, {transform_indices = @transform_6, window_bounds = array<i64: 1000, 128>}, {transform_indices = @transform_7, window_bounds = array<i64: 1000, 128>}, {transform_indices = @transform_8, window_bounds = array<i64: 1000, 16>}]} {
    %get3A = arith.constant 0 : index
    %get3A_0 = arith.constant 0 : index
    %get3A_1 = vector.load %arg1[%get3A, %get3A_0] : memref<1000x128xf32, #tpu.memory_space<vmem>>, vector<1000x128xf32>
    %get3A_2 = arith.constant 0 : index
    %get3A_3 = arith.constant 0 : index
    %get3A_4 = vector.load %arg3[%get3A_2, %get3A_3] : memref<128x128xf32, #tpu.memory_space<vmem>>, vector<128x128xf32>
    %dot_general3A = arith.constant dense<0.000000e+00> : vector<1000x128xf32>
    %dot_general3A_5 = tpu.matmul %get3A_1, %get3A_4, %dot_general3A {dimension_numbers = #tpu.dot_dimension_numbers<[1], [0], [0], [1], [0, 0, 1, 1], [], []>, transpose_lhs_hint = false} : vector<1000x128xf32>, vector<128x128xf32>, vector<1000x128xf32> -> vector<1000x128xf32>
    %get3A_6 = arith.constant 0 : index
    %get3A_7 = arith.constant 0 : index
    %get3A_8 = vector.load %arg4[%get3A_6, %get3A_7] : memref<1x128xf32, #tpu.memory_space<vmem>>, vector<1x128xf32>
    %add3A = vector.broadcast %get3A_8 : vector<1x128xf32> to vector<1000x128xf32>
    %add3A_9 = arith.addf %dot_general3A_5, %add3A : vector<1000x128xf32>
    %get3A_10 = arith.constant 0 : index
    %get3A_11 = arith.constant 0 : index
    %get3A_12 = vector.load %arg5[%get3A_10, %get3A_11] : memref<128x128xf32, #tpu.memory_space<vmem>>, vector<128x128xf32>
    %dot_general3A_13 = arith.constant dense<0.000000e+00> : vector<1000x128xf32>
    %dot_general3A_14 = tpu.matmul %add3A_9, %get3A_12, %dot_general3A_13 {dimension_numbers = #tpu.dot_dimension_numbers<[1], [0], [0], [1], [0, 0, 1, 1], [], []>, transpose_lhs_hint = false} : vector<1000x128xf32>, vector<128x128xf32>, vector<1000x128xf32> -> vector<1000x128xf32>
    %get3A_15 = arith.constant 0 : index
    %get3A_16 = arith.constant 0 : index
    %get3A_17 = vector.load %arg6[%get3A_15, %get3A_16] : memref<1x128xf32, #tpu.memory_space<vmem>>, vector<1x128xf32>
    %add3A_18 = vector.broadcast %get3A_17 : vector<1x128xf32> to vector<1000x128xf32>
    %add3A_19 = arith.addf %dot_general3A_14, %add3A_18 : vector<1000x128xf32>
    %reduce_sum3A = arith.constant dense<0.000000e+00> : vector<1000xf32>
    %reduce_sum3A_20 = vector.multi_reduction <add>, %add3A_9, %reduce_sum3A [1] : vector<1000x128xf32> to vector<1000xf32>
    %broadcast_in_dim3A = vector.shape_cast %reduce_sum3A_20 : vector<1000xf32> to vector<1000x1xf32>
    %swap3A = arith.constant 0 : index
    %swap3A_21 = arith.constant 0 : index
    %swap3A_22 = vector.load %arg7[%swap3A, %swap3A_21] : memref<1000x128xf32, #tpu.memory_space<vmem>>, vector<1000x128xf32>
    tpu.vector_store %arg7[%swap3A, %swap3A_21], %add3A_9 {strides = array<i32>} : memref<1000x128xf32, #tpu.memory_space<vmem>>, vector<1000x128xf32>,
    %swap3A_23 = arith.constant 0 : index
    %swap3A_24 = arith.constant 0 : index
    %swap3A_25 = vector.load %arg8[%swap3A_23, %swap3A_24] : memref<1000x128xf32, #tpu.memory_space<vmem>>, vector<1000x128xf32>
    tpu.vector_store %arg8[%swap3A_23, %swap3A_24], %add3A_19 {strides = array<i32>} : memref<1000x128xf32, #tpu.memory_space<vmem>>, vector<1000x128xf32>,
    %get3A_26 = arith.constant 0 : index
    %get3A_27 = arith.constant 0 : index
    %get3A_28 = vector.load %arg2[%get3A_26, %get3A_27] : memref<1000x3xf32, #tpu.memory_space<vmem>>, vector<1000x3xf32>
    %broadcast_in_dim3A_29 = arith.constant 0.000000e+00 : f32
    %broadcast_in_dim3A_30 = vector.broadcast %broadcast_in_dim3A_29 : f32 to vector<1000x12xf32>
    %concatenate3A = tpu.concatenate %get3A_28, %broadcast_in_dim3A, %broadcast_in_dim3A_30 in 1 : vector<1000x3xf32>, vector<1000x1xf32>, vector<1000x12xf32> -> vector<1000x16xf32>
    %swap3A_31 = arith.constant 0 : index
    %swap3A_32 = arith.constant 0 : index
    %swap3A_33 = vector.load %arg9[%swap3A_31, %swap3A_32] : memref<1000x16xf32, #tpu.memory_space<vmem>>, vector<1000x16xf32>
    tpu.vector_store %arg9[%swap3A_31, %swap3A_32], %concatenate3A {strides = array<i32>} : memref<1000x16xf32, #tpu.memory_space<vmem>>, vector<1000x16xf32>,
    return
  }
  func.func @transform_0(%arg0: i32) -> (i32, i32) {
    %c0_i32 = arith.constant 0 : i32
    %c0_i32_0 = arith.constant 0 : i32
    return %arg0, %c0_i32 : i32, i32
  }
  func.func @transform_1(%arg0: i32) -> (i32, i32) {
    %c0_i32 = arith.constant 0 : i32
    %c0_i32_0 = arith.constant 0 : i32
    return %arg0, %c0_i32 : i32, i32
  }
  func.func @transform_2(%arg0: i32) -> (i32, i32) {
    %c0_i32 = arith.constant 0 : i32
    %c0_i32_0 = arith.constant 0 : i32
    %c0_i32_1 = arith.constant 0 : i32
    return %c0_i32, %c0_i32_0 : i32, i32
  }
  func.func @transform_3(%arg0: i32) -> (i32, i32) {
    %c0_i32 = arith.constant 0 : i32
    %c0_i32_0 = arith.constant 0 : i32
    %c0_i32_1 = arith.constant 0 : i32
    return %c0_i32, %c0_i32_0 : i32, i32
  }
  func.func @transform_4(%arg0: i32) -> (i32, i32) {
    %c0_i32 = arith.constant 0 : i32
    %c0_i32_0 = arith.constant 0 : i32
    %c0_i32_1 = arith.constant 0 : i32
    return %c0_i32, %c0_i32_0 : i32, i32
  }
  func.func @transform_5(%arg0: i32) -> (i32, i32) {
    %c0_i32 = arith.constant 0 : i32
    %c0_i32_0 = arith.constant 0 : i32
    %c0_i32_1 = arith.constant 0 : i32
    return %c0_i32, %c0_i32_0 : i32, i32
  }
  func.func @transform_6(%arg0: i32) -> (i32, i32) {
    %c0_i32 = arith.constant 0 : i32
    %c0_i32_0 = arith.constant 0 : i32
    return %arg0, %c0_i32 : i32, i32
  }
  func.func @transform_7(%arg0: i32) -> (i32, i32) {
    %c0_i32 = arith.constant 0 : i32
    %c0_i32_0 = arith.constant 0 : i32
    return %arg0, %c0_i32 : i32, i32
  }
  func.func @transform_8(%arg0: i32) -> (i32, i32) {
    %c0_i32 = arith.constant 0 : i32
    %c0_i32_0 = arith.constant 0 : i32
    return %arg0, %c0_i32 : i32, i32
  }
}

module attributes {stable_mosaic.version = 14 : i64} {
  func.func @body(%arg0: i32, %arg1: memref<2000x128xf32, #tpu.memory_space<vmem>>, %arg2: memref<2000x16xf32, #tpu.memory_space<vmem>>, %arg3: memref<2000x16xf32, #tpu.memory_space<vmem>>, %arg4: memref<8x128xf32, #tpu.memory_space<vmem>>, %arg5: memref<2000x128xf32, #tpu.memory_space<vmem>>, %arg6: memref<2000x16xf32, #tpu.memory_space<vmem>>) attributes {dimension_semantics = [#tpu.dimension_semantics<arbitrary>], iteration_bounds = array<i64: 160>, scalar_prefetch = 0 : i64, scratch_operands = 0 : i64, tpu.core_type = #tpu.core_type<tc>, window_params = [{transform_indices = @transform_0, window_bounds = array<i64: 2000, 128>}, {transform_indices = @transform_1, window_bounds = array<i64: 2000, 16>}, {transform_indices = @transform_2, window_bounds = array<i64: 2000, 16>}, {pipeline_mode = #tpu.pipeline_mode<synchronous>, transform_indices = @transform_3, window_bounds = array<i64: 8, 128>}, {transform_indices = @transform_4, window_bounds = array<i64: 2000, 128>}, {transform_indices = @transform_5, window_bounds = array<i64: 2000, 16>}]} {
    %get3A = arith.constant 0 : index
    %get3A_0 = arith.constant 0 : index
    %get3A_1 = vector.load %arg3[%get3A, %get3A_0] : memref<2000x16xf32, #tpu.memory_space<vmem>>, vector<2000x3xf32>
    %get3A_2 = arith.constant 0 : index
    %get3A_3 = arith.constant 0 : index
    %get3A_4 = vector.load %arg2[%get3A_2, %get3A_3] : memref<2000x16xf32, #tpu.memory_space<vmem>>, vector<2000x3xf32>
    %sub3A = arith.subf %get3A_1, %get3A_4 : vector<2000x3xf32>
    %mul3A = arith.mulf %sub3A, %sub3A : vector<2000x3xf32>
    %reduce_sum3A = arith.constant dense<0.000000e+00> : vector<2000xf32>
    %reduce_sum3A_5 = vector.multi_reduction <add>, %mul3A, %reduce_sum3A [1] : vector<2000x3xf32> to vector<2000xf32>
    %broadcast_in_dim3A = vector.shape_cast %reduce_sum3A_5 : vector<2000xf32> to vector<2000x1xf32>
    %sqrt3A = math.sqrt %broadcast_in_dim3A : vector<2000x1xf32>
    %add3A = arith.constant 9.99999993E-9 : f32
    %add3A_6 = vector.broadcast %add3A : f32 to vector<2000x1xf32>
    %add3A_7 = arith.addf %sqrt3A, %add3A_6 : vector<2000x1xf32>
    %div3A = vector.broadcast %add3A_7 : vector<2000x1xf32> to vector<2000x3xf32>
    %div3A_8 = arith.divf %sub3A, %div3A : vector<2000x3xf32>
    %get3A_9 = arith.constant 0 : index
    %get3A_10 = arith.constant 3 : index
    %get3A_11 = vector.load %arg2[%get3A_9, %get3A_10] : memref<2000x16xf32, #tpu.memory_space<vmem>>, vector<2000x1xf32>
    %logistic3A = arith.negf %get3A_11 : vector<2000x1xf32>
    %logistic3A_12 = math.exp %logistic3A : vector<2000x1xf32>
    %logistic3A_13 = arith.constant 1.000000e+00 : f32
    %logistic3A_14 = vector.broadcast %logistic3A_13 : f32 to vector<2000x1xf32>
    %logistic3A_15 = arith.addf %logistic3A_14, %logistic3A_12 : vector<2000x1xf32>
    %logistic3A_16 = arith.divf %logistic3A_14, %logistic3A_15 : vector<2000x1xf32>
    %iota3A = tpu.iota {dimensions = array<i32: 1>} : vector<1x8xi32>
    %convert_element_type3A = arith.sitofp %iota3A : vector<1x8xi32> to vector<1x8xf32>
    %mul3A_17 = arith.constant 1.14285719 : f32
    %mul3A_18 = vector.broadcast %mul3A_17 : f32 to vector<1x8xf32>
    %mul3A_19 = arith.mulf %convert_element_type3A, %mul3A_18 : vector<1x8xf32>
    %sub3A_20 = vector.broadcast %sqrt3A : vector<2000x1xf32> to vector<2000x8xf32>
    %sub3A_21 = vector.broadcast %mul3A_19 : vector<1x8xf32> to vector<2000x8xf32>
    %sub3A_22 = arith.subf %sub3A_20, %sub3A_21 : vector<2000x8xf32>
    %integer_pow3A = arith.mulf %sub3A_22, %sub3A_22 : vector<2000x8xf32>
    %mul3A_23 = arith.constant -5.000000e-01 : f32
    %mul3A_24 = vector.broadcast %mul3A_23 : f32 to vector<2000x8xf32>
    %mul3A_25 = arith.mulf %mul3A_24, %integer_pow3A : vector<2000x8xf32>
    %exp3A = math.exp %mul3A_25 : vector<2000x8xf32>
    %get3A_26 = arith.constant 0 : index
    %get3A_27 = arith.constant 0 : index
    %get3A_28 = vector.load %arg1[%get3A_26, %get3A_27] : memref<2000x128xf32, #tpu.memory_space<vmem>>, vector<2000x128xf32>
    %get3A_29 = arith.constant 0 : index
    %get3A_30 = arith.constant 0 : index
    %get3A_31 = vector.load %arg4[%get3A_29, %get3A_30] : memref<8x128xf32, #tpu.memory_space<vmem>>, vector<8x128xf32>
    %dot_general3A = arith.constant dense<0.000000e+00> : vector<2000x128xf32>
    %dot_general3A_32 = tpu.matmul %exp3A, %get3A_31, %dot_general3A {dimension_numbers = #tpu.dot_dimension_numbers<[1], [0], [0], [1], [0, 0, 1, 1], [], []>, transpose_lhs_hint = false} : vector<2000x8xf32>, vector<8x128xf32>, vector<2000x128xf32> -> vector<2000x128xf32>
    %add3A_33 = arith.addf %get3A_28, %dot_general3A_32 : vector<2000x128xf32>
    %logistic3A_34 = arith.negf %add3A_33 : vector<2000x128xf32>
    %logistic3A_35 = math.exp %logistic3A_34 : vector<2000x128xf32>
    %logistic3A_36 = arith.constant 1.000000e+00 : f32
    %logistic3A_37 = vector.broadcast %logistic3A_36 : f32 to vector<2000x128xf32>
    %logistic3A_38 = arith.addf %logistic3A_37, %logistic3A_35 : vector<2000x128xf32>
    %logistic3A_39 = arith.divf %logistic3A_37, %logistic3A_38 : vector<2000x128xf32>
    %mul3A_40 = arith.mulf %add3A_33, %logistic3A_39 : vector<2000x128xf32>
    %swap3A = arith.constant 0 : index
    %swap3A_41 = arith.constant 0 : index
    %swap3A_42 = vector.load %arg5[%swap3A, %swap3A_41] : memref<2000x128xf32, #tpu.memory_space<vmem>>, vector<2000x128xf32>
    tpu.vector_store %arg5[%swap3A, %swap3A_41], %mul3A_40 {strides = array<i32>} : memref<2000x128xf32, #tpu.memory_space<vmem>>, vector<2000x128xf32>,
    %mul3A_43 = vector.broadcast %logistic3A_16 : vector<2000x1xf32> to vector<2000x3xf32>
    %mul3A_44 = arith.mulf %mul3A_43, %div3A_8 : vector<2000x3xf32>
    %broadcast_in_dim3A_45 = arith.constant 1.000000e+00 : f32
    %broadcast_in_dim3A_46 = vector.broadcast %broadcast_in_dim3A_45 : f32 to vector<2000x1xf32>
    %broadcast_in_dim3A_47 = arith.constant 0.000000e+00 : f32
    %broadcast_in_dim3A_48 = vector.broadcast %broadcast_in_dim3A_47 : f32 to vector<2000x12xf32>
    %concatenate3A = tpu.concatenate %mul3A_44, %broadcast_in_dim3A_46, %broadcast_in_dim3A_48 in 1 : vector<2000x3xf32>, vector<2000x1xf32>, vector<2000x12xf32> -> vector<2000x16xf32>
    %swap3A_49 = arith.constant 0 : index
    %swap3A_50 = arith.constant 0 : index
    %swap3A_51 = vector.load %arg6[%swap3A_49, %swap3A_50] : memref<2000x16xf32, #tpu.memory_space<vmem>>, vector<2000x16xf32>
    tpu.vector_store %arg6[%swap3A_49, %swap3A_50], %concatenate3A {strides = array<i32>} : memref<2000x16xf32, #tpu.memory_space<vmem>>, vector<2000x16xf32>,
    return
  }
  func.func @transform_0(%arg0: i32) -> (i32, i32) {
    %c0_i32 = arith.constant 0 : i32
    %c0_i32_0 = arith.constant 0 : i32
    return %arg0, %c0_i32 : i32, i32
  }
  func.func @transform_1(%arg0: i32) -> (i32, i32) {
    %c0_i32 = arith.constant 0 : i32
    %c0_i32_0 = arith.constant 0 : i32
    return %arg0, %c0_i32 : i32, i32
  }
  func.func @transform_2(%arg0: i32) -> (i32, i32) {
    %c0_i32 = arith.constant 0 : i32
    %c0_i32_0 = arith.constant 0 : i32
    return %arg0, %c0_i32 : i32, i32
  }
  func.func @transform_3(%arg0: i32) -> (i32, i32) {
    %c0_i32 = arith.constant 0 : i32
    %c0_i32_0 = arith.constant 0 : i32
    %c0_i32_1 = arith.constant 0 : i32
    return %c0_i32, %c0_i32_0 : i32, i32
  }
  func.func @transform_4(%arg0: i32) -> (i32, i32) {
    %c0_i32 = arith.constant 0 : i32
    %c0_i32_0 = arith.constant 0 : i32
    return %arg0, %c0_i32 : i32, i32
  }
  func.func @transform_5(%arg0: i32) -> (i32, i32) {
    %c0_i32 = arith.constant 0 : i32
    %c0_i32_0 = arith.constant 0 : i32
    return %arg0, %c0_i32 : i32, i32
  }
}

module attributes {stable_mosaic.version = 14 : i64} {
  func.func @body(%arg0: i32, %arg1: memref<1000x128xf32, #tpu.memory_space<vmem>>, %arg2: memref<2x1000x128xf32, #tpu.memory_space<vmem>>, %arg3: memref<2x1000x16xf32, #tpu.memory_space<vmem>>, %arg4: memref<128x128xf32, #tpu.memory_space<vmem>>, %arg5: memref<1x128xf32, #tpu.memory_space<vmem>>, %arg6: memref<128x128xf32, #tpu.memory_space<vmem>>, %arg7: memref<128x128xf32, #tpu.memory_space<vmem>>, %arg8: memref<1x128xf32, #tpu.memory_space<vmem>>, %arg9: memref<128x128xf32, #tpu.memory_space<vmem>>, %arg10: memref<1x128xf32, #tpu.memory_space<vmem>>, %arg11: memref<1x128xf32, #tpu.memory_space<vmem>>, %arg12: memref<1x128xf32, #tpu.memory_space<vmem>>, %arg13: memref<1000x128xf32, #tpu.memory_space<vmem>>, %arg14: memref<1x128xf32, #tpu.memory_space<vmem>>, %arg15: memref<1x128xf32, #tpu.memory_space<vmem>>) attributes {dimension_semantics = [#tpu.dimension_semantics<arbitrary>], iteration_bounds = array<i64: 10>, scalar_prefetch = 0 : i64, scratch_operands = 0 : i64, tpu.core_type = #tpu.core_type<tc>, window_params = [{transform_indices = @transform_0, window_bounds = array<i64: 1000, 128>}, {transform_indices = @transform_1, window_bounds = array<i64: 2, 1000, 128>}, {transform_indices = @transform_2, window_bounds = array<i64: 2, 1000, 16>}, {pipeline_mode = #tpu.pipeline_mode<synchronous>, transform_indices = @transform_3, window_bounds = array<i64: 128, 128>}, {pipeline_mode = #tpu.pipeline_mode<synchronous>, transform_indices = @transform_4, window_bounds = array<i64: 1, 128>}, {pipeline_mode = #tpu.pipeline_mode<synchronous>, transform_indices = @transform_5, window_bounds = array<i64: 128, 128>}, {pipeline_mode = #tpu.pipeline_mode<synchronous>, transform_indices = @transform_6, window_bounds = array<i64: 128, 128>}, {pipeline_mode = #tpu.pipeline_mode<synchronous>, transform_indices = @transform_7, window_bounds = array<i64: 1, 128>}, {pipeline_mode = #tpu.pipeline_mode<synchronous>, transform_indices = @transform_8, window_bounds = array<i64: 128, 128>}, {pipeline_mode = #tpu.pipeline_mode<synchronous>, transform_indices = @transform_9, window_bounds = array<i64: 1, 128>}, {pipeline_mode = #tpu.pipeline_mode<synchronous>, transform_indices = @transform_10, window_bounds = array<i64: 1, 128>}, {pipeline_mode = #tpu.pipeline_mode<synchronous>, transform_indices = @transform_11, window_bounds = array<i64: 1, 128>}, {transform_indices = @transform_12, window_bounds = array<i64: 1000, 128>}, {pipeline_mode = #tpu.pipeline_mode<synchronous>, transform_indices = @transform_13, window_bounds = array<i64: 1, 128>}, {pipeline_mode = #tpu.pipeline_mode<synchronous>, transform_indices = @transform_14, window_bounds = array<i64: 1, 128>}]} {
    %get3A = arith.constant 0 : index
    %get3A_0 = arith.constant 0 : index
    %get3A_1 = arith.constant 0 : index
    %get3A_2 = vector.load %arg2[%get3A, %get3A_0, %get3A_1] : memref<2x1000x128xf32, #tpu.memory_space<vmem>>, vector<1x1000x128xf32>
    %get3A_3 = vector.shape_cast %get3A_2 : vector<1x1000x128xf32> to vector<1000x128xf32>
    %get3A_4 = arith.constant 1 : index
    %get3A_5 = arith.constant 0 : index
    %get3A_6 = arith.constant 0 : index
    %get3A_7 = vector.load %arg2[%get3A_4, %get3A_5, %get3A_6] : memref<2x1000x128xf32, #tpu.memory_space<vmem>>, vector<1x1000x128xf32>
    %get3A_8 = vector.shape_cast %get3A_7 : vector<1x1000x128xf32> to vector<1000x128xf32>
    %add3A = arith.addf %get3A_3, %get3A_8 : vector<1000x128xf32>
    %get3A_9 = arith.constant 0 : index
    %get3A_10 = arith.constant 0 : index
    %get3A_11 = arith.constant 3 : index
    %get3A_12 = vector.load %arg3[%get3A_9, %get3A_10, %get3A_11] : memref<2x1000x16xf32, #tpu.memory_space<vmem>>, vector<1x1000x1xf32>
    %get3A_13 = vector.shape_cast %get3A_12 : vector<1x1000x1xf32> to vector<1000x1xf32>
    %get3A_14 = arith.constant 1 : index
    %get3A_15 = arith.constant 0 : index
    %get3A_16 = arith.constant 3 : index
    %get3A_17 = vector.load %arg3[%get3A_14, %get3A_15, %get3A_16] : memref<2x1000x16xf32, #tpu.memory_space<vmem>>, vector<1x1000x1xf32>
    %get3A_18 = vector.shape_cast %get3A_17 : vector<1x1000x1xf32> to vector<1000x1xf32>
    %add3A_19 = arith.addf %get3A_13, %get3A_18 : vector<1000x1xf32>
    %get3A_20 = arith.constant 0 : index
    %get3A_21 = arith.constant 0 : index
    %get3A_22 = vector.load %arg4[%get3A_20, %get3A_21] : memref<128x128xf32, #tpu.memory_space<vmem>>, vector<128x128xf32>
    %dot_general3A = arith.constant dense<0.000000e+00> : vector<1000x128xf32>
    %dot_general3A_23 = tpu.matmul %add3A, %get3A_22, %dot_general3A {dimension_numbers = #tpu.dot_dimension_numbers<[1], [0], [0], [1], [0, 0, 1, 1], [], []>, transpose_lhs_hint = false} : vector<1000x128xf32>, vector<128x128xf32>, vector<1000x128xf32> -> vector<1000x128xf32>
    %get3A_24 = arith.constant 0 : index
    %get3A_25 = arith.constant 0 : index
    %get3A_26 = vector.load %arg5[%get3A_24, %get3A_25] : memref<1x128xf32, #tpu.memory_space<vmem>>, vector<1x128xf32>
    %mul3A = vector.broadcast %add3A_19 : vector<1000x1xf32> to vector<1000x128xf32>
    %mul3A_27 = vector.broadcast %get3A_26 : vector<1x128xf32> to vector<1000x128xf32>
    %mul3A_28 = arith.mulf %mul3A, %mul3A_27 : vector<1000x128xf32>
    %add3A_29 = arith.addf %dot_general3A_23, %mul3A_28 : vector<1000x128xf32>
    %get3A_30 = arith.constant 0 : index
    %get3A_31 = arith.constant 0 : index
    %get3A_32 = vector.load %arg1[%get3A_30, %get3A_31] : memref<1000x128xf32, #tpu.memory_space<vmem>>, vector<1000x128xf32>
    %get3A_33 = arith.constant 0 : index
    %get3A_34 = arith.constant 0 : index
    %get3A_35 = vector.load %arg6[%get3A_33, %get3A_34] : memref<128x128xf32, #tpu.memory_space<vmem>>, vector<128x128xf32>
    %dot_general3A_36 = arith.constant dense<0.000000e+00> : vector<1000x128xf32>
    %dot_general3A_37 = tpu.matmul %get3A_32, %get3A_35, %dot_general3A_36 {dimension_numbers = #tpu.dot_dimension_numbers<[1], [0], [0], [1], [0, 0, 1, 1], [], []>, transpose_lhs_hint = false} : vector<1000x128xf32>, vector<128x128xf32>, vector<1000x128xf32> -> vector<1000x128xf32>
    %get3A_38 = arith.constant 0 : index
    %get3A_39 = arith.constant 0 : index
    %get3A_40 = vector.load %arg7[%get3A_38, %get3A_39] : memref<128x128xf32, #tpu.memory_space<vmem>>, vector<128x128xf32>
    %dot_general3A_41 = arith.constant dense<0.000000e+00> : vector<1000x128xf32>
    %dot_general3A_42 = tpu.matmul %add3A_29, %get3A_40, %dot_general3A_41 {dimension_numbers = #tpu.dot_dimension_numbers<[1], [0], [0], [1], [0, 0, 1, 1], [], []>, transpose_lhs_hint = false} : vector<1000x128xf32>, vector<128x128xf32>, vector<1000x128xf32> -> vector<1000x128xf32>
    %add3A_43 = arith.addf %dot_general3A_37, %dot_general3A_42 : vector<1000x128xf32>
    %get3A_44 = arith.constant 0 : index
    %get3A_45 = arith.constant 0 : index
    %get3A_46 = vector.load %arg8[%get3A_44, %get3A_45] : memref<1x128xf32, #tpu.memory_space<vmem>>, vector<1x128xf32>
    %add3A_47 = vector.broadcast %get3A_46 : vector<1x128xf32> to vector<1000x128xf32>
    %add3A_48 = arith.addf %add3A_43, %add3A_47 : vector<1000x128xf32>
    %logistic3A = arith.negf %add3A_48 : vector<1000x128xf32>
    %logistic3A_49 = math.exp %logistic3A : vector<1000x128xf32>
    %logistic3A_50 = arith.constant 1.000000e+00 : f32
    %logistic3A_51 = vector.broadcast %logistic3A_50 : f32 to vector<1000x128xf32>
    %logistic3A_52 = arith.addf %logistic3A_51, %logistic3A_49 : vector<1000x128xf32>
    %logistic3A_53 = arith.divf %logistic3A_51, %logistic3A_52 : vector<1000x128xf32>
    %mul3A_54 = arith.mulf %add3A_48, %logistic3A_53 : vector<1000x128xf32>
    %get3A_55 = arith.constant 0 : index
    %get3A_56 = arith.constant 0 : index
    %get3A_57 = vector.load %arg9[%get3A_55, %get3A_56] : memref<128x128xf32, #tpu.memory_space<vmem>>, vector<128x128xf32>
    %dot_general3A_58 = arith.constant dense<0.000000e+00> : vector<1000x128xf32>
    %dot_general3A_59 = tpu.matmul %mul3A_54, %get3A_57, %dot_general3A_58 {dimension_numbers = #tpu.dot_dimension_numbers<[1], [0], [0], [1], [0, 0, 1, 1], [], []>, transpose_lhs_hint = false} : vector<1000x128xf32>, vector<128x128xf32>, vector<1000x128xf32> -> vector<1000x128xf32>
    %get3A_60 = arith.constant 0 : index
    %get3A_61 = arith.constant 0 : index
    %get3A_62 = vector.load %arg10[%get3A_60, %get3A_61] : memref<1x128xf32, #tpu.memory_space<vmem>>, vector<1x128xf32>
    %add3A_63 = vector.broadcast %get3A_62 : vector<1x128xf32> to vector<1000x128xf32>
    %add3A_64 = arith.addf %dot_general3A_59, %add3A_63 : vector<1000x128xf32>
    %reduce_sum3A = arith.constant dense<0.000000e+00> : vector<1000xf32>
    %reduce_sum3A_65 = vector.multi_reduction <add>, %add3A_64, %reduce_sum3A [1] : vector<1000x128xf32> to vector<1000xf32>
    %broadcast_in_dim3A = vector.shape_cast %reduce_sum3A_65 : vector<1000xf32> to vector<1000x1xf32>
    %div3A = arith.constant 1.280000e+02 : f32
    %div3A_66 = vector.broadcast %div3A : f32 to vector<1000x1xf32>
    %div3A_67 = arith.divf %broadcast_in_dim3A, %div3A_66 : vector<1000x1xf32>
    %sub3A = vector.broadcast %div3A_67 : vector<1000x1xf32> to vector<1000x128xf32>
    %sub3A_68 = arith.subf %add3A_64, %sub3A : vector<1000x128xf32>
    %integer_pow3A = arith.mulf %sub3A_68, %sub3A_68 : vector<1000x128xf32>
    %reduce_sum3A_69 = arith.constant dense<0.000000e+00> : vector<1000xf32>
    %reduce_sum3A_70 = vector.multi_reduction <add>, %integer_pow3A, %reduce_sum3A_69 [1] : vector<1000x128xf32> to vector<1000xf32>
    %broadcast_in_dim3A_71 = vector.shape_cast %reduce_sum3A_70 : vector<1000xf32> to vector<1000x1xf32>
    %div3A_72 = arith.constant 1.280000e+02 : f32
    %div3A_73 = vector.broadcast %div3A_72 : f32 to vector<1000x1xf32>
    %div3A_74 = arith.divf %broadcast_in_dim3A_71, %div3A_73 : vector<1000x1xf32>
    %sub3A_75 = vector.broadcast %div3A_67 : vector<1000x1xf32> to vector<1000x128xf32>
    %sub3A_76 = arith.subf %add3A_64, %sub3A_75 : vector<1000x128xf32>
    %add3A_77 = arith.constant 9.99999974E-6 : f32
    %add3A_78 = vector.broadcast %add3A_77 : f32 to vector<1000x1xf32>
    %add3A_79 = arith.addf %div3A_74, %add3A_78 : vector<1000x1xf32>
    %rsqrt3A = math.rsqrt %add3A_79 : vector<1000x1xf32>
    %mul3A_80 = vector.broadcast %rsqrt3A : vector<1000x1xf32> to vector<1000x128xf32>
    %mul3A_81 = arith.mulf %sub3A_76, %mul3A_80 : vector<1000x128xf32>
    %get3A_82 = arith.constant 0 : index
    %get3A_83 = arith.constant 0 : index
    %get3A_84 = vector.load %arg11[%get3A_82, %get3A_83] : memref<1x128xf32, #tpu.memory_space<vmem>>, vector<1x128xf32>
    %mul3A_85 = vector.broadcast %get3A_84 : vector<1x128xf32> to vector<1000x128xf32>
    %mul3A_86 = arith.mulf %mul3A_81, %mul3A_85 : vector<1000x128xf32>
    %get3A_87 = arith.constant 0 : index
    %get3A_88 = arith.constant 0 : index
    %get3A_89 = vector.load %arg12[%get3A_87, %get3A_88] : memref<1x128xf32, #tpu.memory_space<vmem>>, vector<1x128xf32>
    %add3A_90 = vector.broadcast %get3A_89 : vector<1x128xf32> to vector<1000x128xf32>
    %add3A_91 = arith.addf %mul3A_86, %add3A_90 : vector<1000x128xf32>
    %swap3A = arith.constant 0 : index
    %swap3A_92 = arith.constant 0 : index
    %swap3A_93 = vector.load %arg13[%swap3A, %swap3A_92] : memref<1000x128xf32, #tpu.memory_space<vmem>>, vector<1000x128xf32>
    tpu.vector_store %arg13[%swap3A, %swap3A_92], %add3A_91 {strides = array<i32>} : memref<1000x128xf32, #tpu.memory_space<vmem>>, vector<1000x128xf32>,
    %eq3A = arith.constant 0 : i32
    %eq3A_94 = arith.cmpi eq, %arg0, %eq3A : i32
    %convert_element_type3A = arith.extui %eq3A_94 : i1 to i32
    %cond3A = arith.constant 0 : i32
    %cond3A_95 = arith.cmpi ne, %convert_element_type3A, %cond3A : i32
    scf.if %cond3A_95 {
      %broadcast_in_dim3A_127 = arith.constant 0.000000e+00 : f32
      %broadcast_in_dim3A_128 = vector.broadcast %broadcast_in_dim3A_127 : f32 to vector<1x128xf32>
      %swap3A_129 = arith.constant 0 : index
      %swap3A_130 = arith.constant 0 : index
      %swap3A_131 = vector.load %arg14[%swap3A_129, %swap3A_130] : memref<1x128xf32, #tpu.memory_space<vmem>>, vector<1x128xf32>
      tpu.vector_store %arg14[%swap3A_129, %swap3A_130], %broadcast_in_dim3A_128 {strides = array<i32>} : memref<1x128xf32, #tpu.memory_space<vmem>>, vector<1x128xf32>,
      %broadcast_in_dim3A_132 = arith.constant 0.000000e+00 : f32
      %broadcast_in_dim3A_133 = vector.broadcast %broadcast_in_dim3A_132 : f32 to vector<1x128xf32>
      %swap3A_134 = arith.constant 0 : index
      %swap3A_135 = arith.constant 0 : index
      %swap3A_136 = vector.load %arg15[%swap3A_134, %swap3A_135] : memref<1x128xf32, #tpu.memory_space<vmem>>, vector<1x128xf32>
      tpu.vector_store %arg15[%swap3A_134, %swap3A_135], %broadcast_in_dim3A_133 {strides = array<i32>} : memref<1x128xf32, #tpu.memory_space<vmem>>, vector<1x128xf32>,
    } else {
    }
    %get3A_96 = arith.constant 0 : index
    %get3A_97 = arith.constant 0 : index
    %get3A_98 = vector.load %arg14[%get3A_96, %get3A_97] : memref<1x128xf32, #tpu.memory_space<vmem>>, vector<1x128xf32>
    %reduce_sum3A_99 = arith.constant dense<0.000000e+00> : vector<128xf32>
    %reduce_sum3A_100 = vector.multi_reduction <add>, %add3A_91, %reduce_sum3A_99 [0] : vector<1000x128xf32> to vector<128xf32>
    %broadcast_in_dim3A_101 = vector.shape_cast %reduce_sum3A_100 : vector<128xf32> to vector<1x128xf32>
    %add3A_102 = arith.addf %get3A_98, %broadcast_in_dim3A_101 : vector<1x128xf32>
    %swap3A_103 = arith.constant 0 : index
    %swap3A_104 = arith.constant 0 : index
    %swap3A_105 = vector.load %arg14[%swap3A_103, %swap3A_104] : memref<1x128xf32, #tpu.memory_space<vmem>>, vector<1x128xf32>
    tpu.vector_store %arg14[%swap3A_103, %swap3A_104], %add3A_102 {strides = array<i32>} : memref<1x128xf32, #tpu.memory_space<vmem>>, vector<1x128xf32>,
    %get3A_106 = arith.constant 0 : index
    %get3A_107 = arith.constant 0 : index
    %get3A_108 = arith.constant 0 : index
    %get3A_109 = vector.load %arg3[%get3A_106, %get3A_107, %get3A_108] : memref<2x1000x16xf32, #tpu.memory_space<vmem>>, vector<2x1000x16xf32>
    %reduce_sum3A_110 = arith.constant dense<0.000000e+00> : vector<16xf32>
    %reduce_sum3A_111 = vector.multi_reduction <add>, %get3A_109, %reduce_sum3A_110 [0, 1] : vector<2x1000x16xf32> to vector<16xf32>
    %get3A_112 = arith.constant 0 : index
    %get3A_113 = arith.constant 0 : index
    %get3A_114 = vector.load %arg15[%get3A_112, %get3A_113] : memref<1x128xf32, #tpu.memory_space<vmem>>, vector<1x128xf32>
    %broadcast_in_dim3A_115 = vector.shape_cast %reduce_sum3A_111 : vector<16xf32> to vector<1x16xf32>
    %broadcast_in_dim3A_116 = arith.constant 0.000000e+00 : f32
    %broadcast_in_dim3A_117 = vector.broadcast %broadcast_in_dim3A_116 : f32 to vector<1x112xf32>
    %concatenate3A = tpu.concatenate %broadcast_in_dim3A_115, %broadcast_in_dim3A_117 in 1 : vector<1x16xf32>, vector<1x112xf32> -> vector<1x128xf32>
    %add3A_118 = arith.addf %get3A_114, %concatenate3A : vector<1x128xf32>
    %swap3A_119 = arith.constant 0 : index
    %swap3A_120 = arith.constant 0 : index
    %swap3A_121 = vector.load %arg15[%swap3A_119, %swap3A_120] : memref<1x128xf32, #tpu.memory_space<vmem>>, vector<1x128xf32>
    tpu.vector_store %arg15[%swap3A_119, %swap3A_120], %add3A_118 {strides = array<i32>} : memref<1x128xf32, #tpu.memory_space<vmem>>, vector<1x128xf32>,
    %eq3A_122 = arith.constant 9 : i32
    %eq3A_123 = arith.cmpi eq, %arg0, %eq3A_122 : i32
    %convert_element_type3A_124 = arith.extui %eq3A_123 : i1 to i32
    %cond3A_125 = arith.constant 0 : i32
    %cond3A_126 = arith.cmpi ne, %convert_element_type3A_124, %cond3A_125 : i32
    scf.if %cond3A_126 {
      %get3A_127 = arith.constant 0 : index
      %get3A_128 = arith.constant 0 : index
      %get3A_129 = vector.load %arg14[%get3A_127, %get3A_128] : memref<1x128xf32, #tpu.memory_space<vmem>>, vector<1x128xf32>
      %div3A_130 = arith.constant 1.000000e+04 : f32
      %div3A_131 = vector.broadcast %div3A_130 : f32 to vector<1x128xf32>
      %div3A_132 = arith.divf %get3A_129, %div3A_131 : vector<1x128xf32>
      %swap3A_133 = arith.constant 0 : index
      %swap3A_134 = arith.constant 0 : index
      %swap3A_135 = vector.load %arg14[%swap3A_133, %swap3A_134] : memref<1x128xf32, #tpu.memory_space<vmem>>, vector<1x128xf32>
      tpu.vector_store %arg14[%swap3A_133, %swap3A_134], %div3A_132 {strides = array<i32>} : memref<1x128xf32, #tpu.memory_space<vmem>>, vector<1x128xf32>,
      %get3A_136 = arith.constant 0 : index
      %get3A_137 = arith.constant 0 : index
      %get3A_138 = vector.load %arg15[%get3A_136, %get3A_137] : memref<1x128xf32, #tpu.memory_space<vmem>>, vector<1x128xf32>
      %div3A_139 = arith.constant 1.000000e+04 : f32
      %div3A_140 = vector.broadcast %div3A_139 : f32 to vector<1x128xf32>
      %div3A_141 = arith.divf %get3A_138, %div3A_140 : vector<1x128xf32>
      %iota3A = tpu.iota {dimensions = array<i32: 1>} : vector<1x128xi32>
      %lt3A = arith.constant 3 : i32
      %lt3A_142 = vector.broadcast %lt3A : i32 to vector<1x128xi32>
      %lt3A_143 = arith.cmpi slt, %iota3A, %lt3A_142 : vector<1x128xi32>
      %jit3A = arith.constant 0.000000e+00 : f32
      %broadcast_in_dim3A_144 = vector.broadcast %jit3A : f32 to vector<1x128xf32>
      %select_n3A = arith.select %lt3A_143, %div3A_141, %broadcast_in_dim3A_144 : vector<1x128xi1>, vector<1x128xf32>
      %mul3A_145 = arith.mulf %select_n3A, %select_n3A : vector<1x128xf32>
      %reduce_sum3A_146 = vector.shape_cast %mul3A_145 : vector<1x128xf32> to vector<1x1x128xf32>
      %reduce_sum3A_147 = arith.constant dense<0.000000e+00> : vector<1xf32>
      %reduce_sum3A_148 = vector.multi_reduction <add>, %reduce_sum3A_146, %reduce_sum3A_147 [1, 2] : vector<1x1x128xf32> to vector<1xf32>
      %reduce_sum3A_149 = vector.shape_cast %reduce_sum3A_148 : vector<1xf32> to vector<1x1x1xf32>
      %reduce_sum3A_150 = vector.extract %reduce_sum3A_149[0, 0, 0] : f32 from vector<1x1x1xf32>
      %sqrt3A = math.sqrt %reduce_sum3A_150 : f32
      %add3A_151 = arith.constant 9.99999993E-9 : f32
      %add3A_152 = arith.addf %sqrt3A, %add3A_151 : f32
      %div3A_153 = vector.broadcast %add3A_152 : f32 to vector<1x128xf32>
      %div3A_154 = arith.divf %select_n3A, %div3A_153 : vector<1x128xf32>
      %swap3A_155 = arith.constant 0 : index
      %swap3A_156 = arith.constant 0 : index
      %swap3A_157 = vector.load %arg15[%swap3A_155, %swap3A_156] : memref<1x128xf32, #tpu.memory_space<vmem>>, vector<1x128xf32>
      tpu.vector_store %arg15[%swap3A_155, %swap3A_156], %div3A_154 {strides = array<i32>} : memref<1x128xf32, #tpu.memory_space<vmem>>, vector<1x128xf32>,
    } else {
    }
    return
  }
  func.func @transform_0(%arg0: i32) -> (i32, i32) {
    %c0_i32 = arith.constant 0 : i32
    %c0_i32_0 = arith.constant 0 : i32
    return %arg0, %c0_i32 : i32, i32
  }
  func.func @transform_1(%arg0: i32) -> (i32, i32, i32) {
    %c0_i32 = arith.constant 0 : i32
    %c0_i32_0 = arith.constant 0 : i32
    %c0_i32_1 = arith.constant 0 : i32
    return %c0_i32, %arg0, %c0_i32_0 : i32, i32, i32
  }
  func.func @transform_2(%arg0: i32) -> (i32, i32, i32) {
    %c0_i32 = arith.constant 0 : i32
    %c0_i32_0 = arith.constant 0 : i32
    %c0_i32_1 = arith.constant 0 : i32
    return %c0_i32, %arg0, %c0_i32_0 : i32, i32, i32
  }
  func.func @transform_3(%arg0: i32) -> (i32, i32) {
    %c0_i32 = arith.constant 0 : i32
    %c0_i32_0 = arith.constant 0 : i32
    %c0_i32_1 = arith.constant 0 : i32
    return %c0_i32, %c0_i32_0 : i32, i32
  }
  func.func @transform_4(%arg0: i32) -> (i32, i32) {
    %c0_i32 = arith.constant 0 : i32
    %c0_i32_0 = arith.constant 0 : i32
    %c0_i32_1 = arith.constant 0 : i32
    return %c0_i32, %c0_i32_0 : i32, i32
  }
  func.func @transform_5(%arg0: i32) -> (i32, i32) {
    %c0_i32 = arith.constant 0 : i32
    %c0_i32_0 = arith.constant 0 : i32
    %c0_i32_1 = arith.constant 0 : i32
    return %c0_i32, %c0_i32_0 : i32, i32
  }
  func.func @transform_6(%arg0: i32) -> (i32, i32) {
    %c0_i32 = arith.constant 0 : i32
    %c0_i32_0 = arith.constant 0 : i32
    %c0_i32_1 = arith.constant 0 : i32
    return %c0_i32, %c0_i32_0 : i32, i32
  }
  func.func @transform_7(%arg0: i32) -> (i32, i32) {
    %c0_i32 = arith.constant 0 : i32
    %c0_i32_0 = arith.constant 0 : i32
    %c0_i32_1 = arith.constant 0 : i32
    return %c0_i32, %c0_i32_0 : i32, i32
  }
  func.func @transform_8(%arg0: i32) -> (i32, i32) {
    %c0_i32 = arith.constant 0 : i32
    %c0_i32_0 = arith.constant 0 : i32
    %c0_i32_1 = arith.constant 0 : i32
    return %c0_i32, %c0_i32_0 : i32, i32
  }
  func.func @transform_9(%arg0: i32) -> (i32, i32) {
    %c0_i32 = arith.constant 0 : i32
    %c0_i32_0 = arith.constant 0 : i32
    %c0_i32_1 = arith.constant 0 : i32
    return %c0_i32, %c0_i32_0 : i32, i32
  }
  func.func @transform_10(%arg0: i32) -> (i32, i32) {
    %c0_i32 = arith.constant 0 : i32
    %c0_i32_0 = arith.constant 0 : i32
    %c0_i32_1 = arith.constant 0 : i32
    return %c0_i32, %c0_i32_0 : i32, i32
  }
  func.func @transform_11(%arg0: i32) -> (i32, i32) {
    %c0_i32 = arith.constant 0 : i32
    %c0_i32_0 = arith.constant 0 : i32
    %c0_i32_1 = arith.constant 0 : i32
    return %c0_i32, %c0_i32_0 : i32, i32
  }
  func.func @transform_12(%arg0: i32) -> (i32, i32) {
    %c0_i32 = arith.constant 0 : i32
    %c0_i32_0 = arith.constant 0 : i32
    return %arg0, %c0_i32 : i32, i32
  }
  func.func @transform_13(%arg0: i32) -> (i32, i32) {
    %c0_i32 = arith.constant 0 : i32
    %c0_i32_0 = arith.constant 0 : i32
    %c0_i32_1 = arith.constant 0 : i32
    return %c0_i32, %c0_i32_0 : i32, i32
  }
  func.func @transform_14(%arg0: i32) -> (i32, i32) {
    %c0_i32 = arith.constant 0 : i32
    %c0_i32_0 = arith.constant 0 : i32
    %c0_i32_1 = arith.constant 0 : i32
    return %c0_i32, %c0_i32_0 : i32, i32
  }
}

</mosaic_0001>

<sc_bundles>
// kernel: kernel.10.cloned.1.call-start
scs
__scs_entry_jumppad:
0x0: {  	(pc) =	sbr.rel $0x88, $3  }
0x1: {  	(tag) =	ssettag $0x0;
	lr =	simm.s32 $0x1  }
0x2: {  	[smem:$0x3F92] =	sst lr;
	_ =	strace $0xD0000000  }
0x3: {  	_ = 	snop  }
0x4: {  	_ = 	snop  }
0x5: {  	_ = 	snop  }
0x6: {  	_ = 	snop  }
0x7: {  	_ = 	snop  }
__scs_overlays_trampoline_lowered:
0x8: {  	[smem:$0x3FA1] =	sst s0  }
0x9: {  	[smem:$0x3FA2] =	sst s1  }
0xa: {  	[smem:$0x3FA3] =	sst s2  }
0xb: {  	[smem:$0x3FA4] =	sst s3  }
0xc: {  	[smem:$0x3FA5] =	sst s4  }
0xd: {  	[smem:$0x3FA6] =	sst s5  }
0xe: {  	[smem:$0x3FA7] =	sst s6  }
0xf: {  	[smem:$0x3FA8] =	sst s7  }
0x10: {  	[smem:$0x3FA9] =	sst s8  }
0x11: {  	[smem:$0x3FAA] =	sst s9;
	s0 =	simm.s32 @!p0 $0x0  }
0x12: {  	s1 =	sld [smem:$0x3F90];
	s0 =	simm.s32 @p0 $0x1  }
0x13: {  	[smem:$0x3FAB] =	sst s0;
	s0 =	simm.s32 @!p1 $0x0  }
0x14: {  	s2 =	sld [smem:$0x3F8F];
	s0 =	simm.s32 @p1 $0x1  }
0x15: {  	[smem:$0x3FAC] =	sst s0;
	s0 =	simm.s32 @!p2 $0x0  }
0x16: {  	s3 =	sld [smem:$0x3FDB];
	s0 =	simm.s32 @p2 $0x1  }
0x17: {  	s4 =	simm.s32 $0x1BF5;
	[smem:$0x3FAE] =	sst s0  }
0x18: {  	s0 =	sld [smem:$0x3F91];
	_ =	swait.ge [sflag:s4], $0x0  }
0x19: {  	s7 =	sld [smem:$0x3F92]  }
0x1a: {  	s8 =	sadd.s32 $0xFFFFE003, lr  }
0x1b: {  	s9 =	sadd.s32 $0xFFFFFEF7, lr;
	s5 =	simm.s32 $0xFFFFFFFF;
	p2 =	slt.u32 s8, $0xFFFFF086  }
0x1c: {  	p1 =	slt.u32 s9, $0xF7A;
	s5 =	simm.s32 @!p2 $0x0  }
0x1d: {  	s5 =	simm.s32 @p1 $0x1;
	p0 =	seq.s32 s7, s2  }
0x1e: {  	s7 =	smul.u32 @!p0 $0xF7A, s2;
	p2 =	seq.s32 @!p0 s5, $0x0  }
0x1f: {  	s9 =	smul.u32 $0xF7A, s1;
	s8 =	simm.s32 @!p0 $0x1BF5;
	p2 =	por !p2, p0  }
0x20: {  	[sflag:s8] =	ssyncset.s32 @!p0 $0xFFFFF086;
	s6 =	sadd.s32 @!p0 s3, s7;
	s7 =	simm.s32 @!p0 $0x108  }
0x21: {  	s3 =	sadd.s32 s3, s9;
	s6 =	sadd.s32 @!p0 $0x88, s6;
	s7 =	simm.s32 @p2 $0x1082  }
0x22: {  	[simem:s7], [sflag:s8] =	dma.local @!p0 [hbm:s6], $0xF7A  }
0x23: {  	s9 =	sor.u32 $0xD0000000, s2;
	s6 =	simm.s32 $0x108;
	_ =	swait.ge @!p0 [sflag:s8], $0x0  }
0x24: {  	s3 =	sadd.s32 $0x88, s3;
	s6 =	simm.s32 @!p1 $0x1082;
	[sflag:s4] =	ssyncset.s32 $0xFFFFF086  }
0x25: {  	[simem:s6], [sflag:s4] =	dma.local [hbm:s3], $0xF7A  }
0x26: {  	[smem:$0x3F92] =	sst s1;
	(tag) =	ssettag s2;
	_ =	strace s9  }
0x27: {  	s1 =	sld [smem:$0x3FA2]  }
0x28: {  	s2 =	sld [smem:$0x3FA3]  }
0x29: {  	s4 =	sld [smem:$0x3FA5]  }
0x2a: {  	p0 =	seq.s32 s5, $0x0;
	s5 =	sld [smem:$0x3FA6]  }
0x2b: {  	s6 =	sld [smem:$0x3FA7]  }
0x2c: {  	s7 =	sld [smem:$0x3FA8]  }
0x2d: {  	s3 =	simm.s32 $0x108;
	s8 =	sld [smem:$0x3FA9]  }
0x2e: {  	s3 =	simm.s32 @!p0 $0x1082;
	s9 =	sld [smem:$0x3FAA]  }
0x2f: {  	lr =	sadd.s32 s0, s3;
	s0 =	sld [smem:$0x3FA1]  }
0x30: {  	s3 =	sld [smem:$0x3FA4]  }
0x31: {  	[smem:$0x3FAD] =	sst s10  }
0x32: {  	s10 =	sld [smem:$0x3FAB];
	_ =	sdelay $0x3  }
0x33: {  	p0 =	seq.s32 s10, $0x1;
	s10 =	sld [smem:$0x3FAD];
	_ =	sdelay $0x3  }
0x34: {  	[smem:$0x3FAD] =	sst s10  }
0x35: {  	s10 =	sld [smem:$0x3FAC];
	_ =	sdelay $0x3  }
0x36: {  	p1 =	seq.s32 s10, $0x1;
	s10 =	sld [smem:$0x3FAD];
	_ =	sdelay $0x3  }
0x37: {  	[smem:$0x3FAD] =	sst s10  }
0x38: {  	s10 =	sld [smem:$0x3FAE]  }
0x39: {  	_ = 	snop;
	(pc) =	sbr.ind lr, $3  }
0x3a: {  	_ = 	snop  }
0x3b: {  	_ = 	snop  }
0x3c: {  	p2 =	seq.s32 s10, $0x1;
	s10 =	sld [smem:$0x3FAD]  }
0x3d: {  	_ =	shalt  }
0x3e: {  	_ =	shalt  }
0x3f: {  	_ =	shalt  }
0x40: {  	_ =	shalt  }
0x41: {  	_ =	shalt  }
0x42: {  	_ =	shalt  }
0x43: {  	_ =	shalt  }
0x44: {  	_ =	shalt  }
0x45: {  	_ =	shalt  }
0x46: {  	_ =	shalt  }
0x47: {  	_ =	shalt  }
0x48: {  	_ =	shalt  }
0x49: {  	_ =	shalt  }
0x4a: {  	_ =	shalt  }
0x4b: {  	_ =	shalt  }
0x4c: {  	_ =	shalt  }
0x4d: {  	_ =	shalt  }
0x4e: {  	_ =	shalt  }
0x4f: {  	_ =	shalt  }
0x50: {  	_ =	shalt  }
0x51: {  	_ =	shalt  }
0x52: {  	_ =	shalt  }
0x53: {  	_ =	shalt  }
0x54: {  	_ =	shalt  }
0x55: {  	_ =	shalt  }
0x56: {  	_ =	shalt  }
0x57: {  	_ =	shalt  }
0x58: {  	_ =	shalt  }
0x59: {  	_ =	shalt  }
0x5a: {  	_ =	shalt  }
0x5b: {  	_ =	shalt  }
0x5c: {  	_ =	shalt  }
0x5d: {  	_ =	shalt  }
0x5e: {  	_ =	shalt  }
0x5f: {  	_ =	shalt  }
0x60: {  	_ =	shalt  }
0x61: {  	_ =	shalt  }
0x62: {  	_ =	shalt  }
0x63: {  	_ =	shalt  }
0x64: {  	_ =	shalt  }
0x65: {  	_ =	shalt  }
0x66: {  	_ =	shalt  }
0x67: {  	_ =	shalt  }
0x68: {  	_ =	shalt  }
0x69: {  	_ =	shalt  }
0x6a: {  	_ =	shalt  }
0x6b: {  	_ =	shalt  }
0x6c: {  	_ =	shalt  }
0x6d: {  	_ =	shalt  }
0x6e: {  	_ =	shalt  }
0x6f: {  	_ =	shalt  }
0x70: {  	_ =	shalt  }
0x71: {  	_ =	shalt  }
0x72: {  	_ =	shalt  }
0x73: {  	_ =	shalt  }
0x74: {  	_ =	shalt  }
0x75: {  	_ =	shalt  }
0x76: {  	_ =	shalt  }
0x77: {  	_ =	shalt  }
0x78: {  	_ =	shalt  }
0x79: {  	_ =	shalt  }
0x7a: {  	_ =	shalt  }
0x7b: {  	_ =	shalt  }
0x7c: {  	_ =	shalt  }
0x7d: {  	_ =	shalt  }
0x7e: {  	_ =	shalt  }
0x7f: {  	_ =	shalt  }
0x80: {  	_ =	shalt  }
0x81: {  	_ =	shalt  }
0x82: {  	_ =	shalt  }
0x83: {  	_ =	shalt  }
0x84: {  	_ =	shalt  }
0x85: {  	_ =	shalt  }
0x86: {  	_ =	shalt  }
0x87: {  	_ =	shalt  }
.Lfunc_end0:
.L_simem_size_0:
called_computation.1_lowered:
.L_overlay_start_0:
0x88: {  	s2 =	sld [smem:$0x3FD9]  }
0x89: {  	s3 =	sld [smem:$0x3FFE];
	_ =	sdelay $0x1  }
0x8a: {  	s1 =	srdreg.scid  }
0x8b: {  	s0 =	sand.u32 $0x1, s1  }
0x8c: {  	s16 =	sshll.u32 s0, $0xA;
	s2 =	sadd.s32 s3, s2  }
0x8d: {  	s2 =	sadd.s32 s2, s16  }
0x8e: {  	[smem:$0x3FB9] =	sst s2  }
0x8f: {  	_ = 	snop  }
0x90: {  	(tm) =	ssettm $0x1  }
0x91: {  	s17 =	sld [smem:$0x3FFB];
	_ =	sdelay $0x3  }
0x92: {  	_ =	strace s17  }
0x93: {  	s2 =	sld [smem:$0x3FFC];
	_ =	sdelay $0x3  }
0x94: {  	_ =	strace s2  }
0x95: {  	s2 =	sld [smem:$0x3FFD];
	_ =	sdelay $0x3  }
0x96: {  	_ =	strace s2  }
0x97: {  	_ =	strace $0x8FFFFFFF  }
0x98: {  	s18 =	sld [smem:$0x3FDB];
	_ =	sdelay $0x1  }
0x99: {  	s19 =	simm.s32 $_scs_section_size  }
0x9a: {  	s4 =	simm.s32 $_size__tile_overlayer_lowered;
	s5 =	simm.s32 $_tile_overlayer_lowered  }
0x9b: {  	s22 =	simm.s32 $0x1BFF;
	s21 =	sshll.u32 s5, $0x1;
	s2 =	sadd.s32 s19, s18  }
0x9c: {  	s6 =	simm.s32 $0x0;
	s20 =	sshll.u32 s4, $0x1;
	s4 =	sadd.s32 s21, s2  }
0x9d: {  	[timem:s6], [sflag:s22] =	dma.local [hbm:s4], s20  }
0x9e: {  	_ =	swait.ge [sflag:s22], s20  }
0x9f: {  	s3 =	ssub.s32 $0x0, s20;
	[sflag:s22] =	ssyncset.done $0x0  }
0xa0: {  	[sflag:s22] =	ssyncadd.s32 s3;
	_ =	sdelay $0x1  }
0xa1: {  	s23 =	simm.s32 $0x1B8B  }
0xa2: {  	_ =	swait.ge [sflag:s23], $0x1  }
0xa3: {  	[sflag:s23] =	ssyncset.done $0x0  }
0xa4: {  	s25 =	simm.s32 $0x1B8E;
	s24 =	sld [smem:$0x3FFE];
	[sflag:s23] =	ssyncadd.s32 $0xFFFFFFFF  }
0xa5: {  	s26 =	simm.s32 $execute0_lowered;
	[smem:$0x3FD2] =	sst s25  }
0xa6: {  	s4 =	sshll.u32 s26, $0x1;
	_ =	strace $0x80000049;
	[dreg:$0x1] =	wrdreg $0xFFFFFFFF  }
0xa7: {  	s28 =	simm.s32 $_size_execute0_lowered;
	s2 =	sadd.s32 s2, s4;
	[dreg:$0x0] =	wrdreg $0x0  }
0xa8: {  	s4 =	sshll.u32 s28, $0x1;
	[dreg:$0x2] =	wrdreg s2  }
0xa9: {  	[dreg:$0x3] =	wrdreg s4  }
0xaa: {  	[dreg:$0x4] =	wrdreg $0xC0  }
0xab: {  	_ =	task [dreg:s6], $0x5FFFF  }
0xac: {  	[dreg:$0x1] =	wrdreg $0xFFFFFFFF  }
0xad: {  	[dreg:$0x0] =	wrdreg $0x60  }
0xae: {  	[dreg:$0x2] =	wrdreg s24  }
0xaf: {  	[dreg:$0x3] =	wrdreg $0x46A00  }
0xb0: {  	[dreg:$0x4] =	wrdreg $0x17F200  }
0xb1: {  	[dreg:$0x5] =	wrdreg $0x9  }
0xb2: {  	_ =	task.clear_ibuf [dreg:s6], $0x6FFFF;
	_ =	strace $0x90000049  }
0xb3: {  	s29 =	simm.s32 $0x9;
	_ =	strace $0x8000004B  }
0xb4: {  	_ =	swait.ge [sflag:s29], $0x1  }
0xb5: {  	[sflag:s29] =	ssyncadd.s32 $0xFFFFFFFF  }
0xb6: {  	_ =	strace $0x9000004B  }
0xb7: {  	_ =	sfence  }
0xb8: {  	s30 =	sld [smem:$0x0];
	_ =	sdelay $0x2  }
0xb9: {  	s31 =	sshll.u32 s1, $0xD;
	s1 =	sshrl.u32 s1, $0x2  }
0xba: {  	s3 =	sand.u32 $0x4000, s31;
	s1 =	sadd.s32 s1, s30  }
0xbb: {  	s0 =	sor.u32 s3, s0;
	s1 =	sshll.u32 s1, $0x11  }
0xbc: {  	s0 =	sor.u32 s1, s0  }
0xbd: {  	s0 =	sadd.s32 $0x8F2B, s0  }
0xbe: {  	[sflag:s0] =	ssyncadd.remote.s32 $0x1  }
0xbf: {  	_ =	sfence.sel $0xFFFF  }
0xc0: {  	[dreg:$0x0] =	wrdreg $0xFFFFFFFF;
	(pc) =	sbr.abs _section_cstart, $3  }
0xc1: {  	[dreg:$0x1] =	wrdreg $0xFFFFFFFF  }
0xc2: {  	_ =	task.clear_ibuf [dreg:s6], $0x2FFFF;
	_ =	strace $0x9FFFFFFF  }
0xc3: {  	(tm) =	ssettm $0x7FFFFFFF  }
tec
execute0_lowered:
.L_overlay_start_1:
0x0: {  	(tag) =	ssettag $0x1  }
0x1: {  	s16 =	stileid.u32  }
0x2: {  	s4 =	smul.u32 $0x4E20, s16  }
0x3: {  	s7 =	smul.u32 $0x271, s16  }
0x4: {  	s0 =	srdreg.scid;
	s15 =	smul.u32 $0x13880, s16  }
0x5: {  	s2 =	sand.u32 $0x1, s0;
	s0 =	smul.u32 $0x2710, s16  }
0x6: {  	s1 =	rddreg [dreg:$0x0];
	s3 =	smul.u32 $0x2710, s2  }
0x7: {  	s8 =	sadd.s32 $0xB3C00, s1;
	s9 =	smul.u32 $0x138800, s2  }
0x8: {  	s11 =	sadd.s32 $0x3C00, s1;
	s5 =	ssub.s32 $0x2, s2;
	s13 =	smul.u32 $0x27100, s2  }
0x9: {  	s2 =	smul.u32 $0x4E20, s2;
	s10 =	sshrl.u32 s5, $0x1;
	s12 =	sadd.s32 $0x7D, s7  }
0xa: {  	s6 =	sadd.s32 s3, s4;
	s3 =	ssub.s32 s5, s10;
	s4 =	sshll.u32 s12, $0x7  }
0xb: {  	s5 =	sshll.u32 s12, $0x4;
	s10 =	sadd.s32 $0xFA, s7;
	s12 =	sadd.s32 $0x177, s7  }
0xc: {  	s7 =	sadd.s32 $0x1F4, s7;
	s14 =	sadd.s32 s9, s15;
	s17 =	sadd.s32 s13, s0  }
0xd: {  	s21 =	sshll.u32 s10, $0x7;
	s22 =	sshll.u32 s10, $0x4;
	s23 =	sshll.u32 s12, $0x7  }
0xe: {  	s24 =	sshll.u32 s12, $0x4;
	s25 =	sshll.u32 s7, $0x7;
	s10 =	sshrl.u32 s14, $0x3  }
0xf: {  	s12 =	sshrl.u32 s17, $0x3;
	s7 =	sshll.u32 s7, $0x4;
	s19 =	sadd.s32 s9, s4  }
0x10: {  	s20 =	sadd.s32 s13, s5;
	s6 =	sshrl.u32 s6, $0x3;
	s10 =	sadd.s32 s8, s10  }
0x11: {  	s18 =	sadd.s32 s11, s12;
	s14 =	sadd.s32 s9, s21;
	s12 =	sshrl.u32 s20, $0x3  }
0x12: {  	s17 =	sadd.s32 s9, s23;
	s9 =	sadd.s32 s9, s25;
	[dreg:$0x4] =	wrdreg s10  }
0x13: {  	s20 =	sadd.s32 s13, s7;
	s6 =	sadd.s32 s6, s1;
	[dreg:$0x5] =	wrdreg s18  }
0x14: {  	s10 =	sshrl.u32 s19, $0x3;
	s14 =	sshrl.u32 s14, $0x3;
	s26 =	sadd.s32 s11, s12  }
0x15: {  	s9 =	sshrl.u32 s9, $0x3;
	s18 =	sadd.s32 s13, s24;
	s31 =	sadd.s32 $0xDA00, s6  }
0x16: {  	s10 =	sadd.s32 s8, s10;
	[dreg:$0x7] =	wrdreg s26;
	s12 =	sadd.s32 s8, s14  }
0x17: {  	s14 =	sadd.s32 s13, s22;
	s26 =	sshrl.u32 s20, $0x3;
	[dreg:$0x6] =	wrdreg s10  }
0x18: {  	[dreg:$0x8] =	wrdreg s12;
	s10 =	sshrl.u32 s14, $0x3;
	s12 =	sshrl.u32 s17, $0x3  }
0x19: {  	s14 =	rddreg [dreg:$0x2];
	s12 =	sadd.s32 s8, s12;
	s8 =	sadd.s32 s8, s9  }
0x1a: {  	s19 =	sadd.s32 s11, s10;
	s9 =	smul.u32 $0x4E200, s16;
	[dreg:$0x9] =	wrdreg s12  }
0x1b: {  	s10 =	simm.s32 $0x0;
	s16 =	smul.u32 $0x9C40, s16;
	[dreg:$0xa] =	wrdreg s8  }
0x1c: {  	s20 =	sadd.s32 s5, s14;
	s22 =	sadd.s32 s22, s14;
	[dreg:$0xb] =	wrdreg s19  }
0x1d: {  	s24 =	sadd.s32 s24, s14;
	s28 =	sadd.s32 s0, s14;
	[smem:$0x7FF] =	sst s10  }
0x1e: {  	s0 =	simm.s32 $0x3;
	s8 =	sshrl.u32 s18, $0x3;
	s12 =	rddreg [dreg:$0x1]  }
0x1f: {  	s8 =	sadd.s32 s11, s8;
	s17 =	sadd.s32 s9, s1;
	s1 =	sadd.s32 s16, s1  }
0x20: {  	s15 =	sadd.s32 s15, s12;
	s19 =	sadd.s32 s4, s12;
	s21 =	sadd.s32 s21, s12  }
0x21: {  	s23 =	sadd.s32 s23, s12;
	s25 =	sadd.s32 s25, s12;
	s4 =	simm.s32 $0x0  }
0x22: {  	[dreg:$0xc] =	wrdreg s8;
	s8 =	sadd.s32 s11, s26;
	s1 =	sadd.s32 s2, s1  }
0x23: {  	s11 =	sadd.s32 s13, s17;
	s26 =	sshrl.u32 s16, $0x2;
	s16 =	smax.u32 s3, $0x1  }
0x24: {  	s13 =	simm.s32 $0x50;
	s2 =	simm.s32 $0x1;
	s3 =	simm.s32 $0x2  }
0x25: {  	[dreg:$0xd] =	wrdreg s8;
	s8 =	sshrl.u32 s9, $0x2;
	s18 =	sadd.s32 s26, s14  }
0x26: {  	s26 =	sadd.s32 s7, s14;
	s29 =	sadd.s32 $0x17800, s1;
	s30 =	sadd.s32 $0x1504200, s11  }
0x27: {  	v0 =	vimm.f32 $0.0e+00;
	s1 =	simm.s32 $0x3ED0;
	_ =	strace $0x8000004A;
	s17 =	sadd.s32 s8, s12  }
.LBB2_1:
0x28: {  	[tilespmem:$0x50] =	vst v0  }
0x29: {  	[tilespmem:$0x60] =	vst v0  }
0x2a: {  	[tilespmem:$0x70] =	vst v0  }
0x2b: {  	[tilespmem:$0x80] =	vst v0  }
0x2c: {  	[tilespmem:$0x90] =	vst v0  }
0x2d: {  	[tilespmem:$0xA0] =	vst v0  }
0x2e: {  	[tilespmem:$0xB0] =	vst v0  }
0x2f: {  	[tilespmem:$0xC0] =	vst v0  }
0x30: {  	[tilespmem:$0xD0] =	vst v0  }
0x31: {  	[tilespmem:$0xE0] =	vst v0  }
0x32: {  	[tilespmem:$0xF0] =	vst v0  }
0x33: {  	[tilespmem:$0x100] =	vst v0  }
0x34: {  	[tilespmem:$0x110] =	vst v0  }
0x35: {  	[tilespmem:$0x120] =	vst v0  }
0x36: {  	[tilespmem:$0x130] =	vst v0  }
0x37: {  	[tilespmem:$0x140] =	vst v0  }
0x38: {  	[tilespmem:$0x150] =	vst v0  }
0x39: {  	[tilespmem:$0x160] =	vst v0  }
0x3a: {  	[tilespmem:$0x170] =	vst v0  }
0x3b: {  	[tilespmem:$0x180] =	vst v0  }
0x3c: {  	[tilespmem:$0x190] =	vst v0  }
0x3d: {  	[tilespmem:$0x1A0] =	vst v0  }
0x3e: {  	[tilespmem:$0x1B0] =	vst v0  }
0x3f: {  	[tilespmem:$0x1C0] =	vst v0  }
0x40: {  	[tilespmem:$0x1D0] =	vst v0  }
0x41: {  	[tilespmem:$0x1E0] =	vst v0  }
0x42: {  	[tilespmem:$0x1F0] =	vst v0  }
0x43: {  	[tilespmem:$0x200] =	vst v0  }
0x44: {  	[tilespmem:$0x210] =	vst v0  }
0x45: {  	[tilespmem:$0x220] =	vst v0  }
0x46: {  	[tilespmem:$0x230] =	vst v0  }
0x47: {  	[tilespmem:$0x240] =	vst v0  }
0x48: {  	[tilespmem:$0x250] =	vst v0  }
0x49: {  	[tilespmem:$0x260] =	vst v0  }
0x4a: {  	[tilespmem:$0x270] =	vst v0  }
0x4b: {  	[tilespmem:$0x280] =	vst v0  }
0x4c: {  	[tilespmem:$0x290] =	vst v0  }
0x4d: {  	[tilespmem:$0x2A0] =	vst v0  }
0x4e: {  	[tilespmem:$0x2B0] =	vst v0  }
0x4f: {  	[tilespmem:$0x2C0] =	vst v0  }
0x50: {  	[tilespmem:$0x2D0] =	vst v0  }
0x51: {  	[tilespmem:$0x2E0] =	vst v0  }
0x52: {  	[tilespmem:$0x2F0] =	vst v0  }
0x53: {  	[tilespmem:$0x300] =	vst v0  }
0x54: {  	[tilespmem:$0x310] =	vst v0  }
0x55: {  	[tilespmem:$0x320] =	vst v0  }
0x56: {  	[tilespmem:$0x330] =	vst v0  }
0x57: {  	[tilespmem:$0x340] =	vst v0  }
0x58: {  	[tilespmem:$0x350] =	vst v0  }
0x59: {  	[tilespmem:$0x360] =	vst v0  }
0x5a: {  	[tilespmem:$0x370] =	vst v0  }
0x5b: {  	[tilespmem:$0x380] =	vst v0  }
0x5c: {  	[tilespmem:$0x390] =	vst v0  }
0x5d: {  	[tilespmem:$0x3A0] =	vst v0  }
0x5e: {  	[tilespmem:$0x3B0] =	vst v0  }
0x5f: {  	[tilespmem:$0x3C0] =	vst v0  }
0x60: {  	[tilespmem:$0x3D0] =	vst v0  }
0x61: {  	[tilespmem:$0x3E0] =	vst v0  }
0x62: {  	[tilespmem:$0x3F0] =	vst v0  }
0x63: {  	[tilespmem:$0x400] =	vst v0  }
0x64: {  	[tilespmem:$0x410] =	vst v0  }
0x65: {  	[tilespmem:$0x420] =	vst v0  }
0x66: {  	[tilespmem:$0x430] =	vst v0  }
0x67: {  	[tilespmem:$0x440] =	vst v0  }
0x68: {  	[tilespmem:$0x450] =	vst v0  }
0x69: {  	[tilespmem:$0x460] =	vst v0  }
0x6a: {  	[tilespmem:$0x470] =	vst v0  }
0x6b: {  	[tilespmem:$0x480] =	vst v0  }
0x6c: {  	[tilespmem:$0x490] =	vst v0  }
0x6d: {  	[tilespmem:$0x4A0] =	vst v0  }
0x6e: {  	[tilespmem:$0x4B0] =	vst v0  }
0x6f: {  	[tilespmem:$0x4C0] =	vst v0  }
0x70: {  	[tilespmem:$0x4D0] =	vst v0  }
0x71: {  	[tilespmem:$0x4E0] =	vst v0  }
0x72: {  	[tilespmem:$0x4F0] =	vst v0  }
0x73: {  	[tilespmem:$0x500] =	vst v0  }
0x74: {  	[tilespmem:$0x510] =	vst v0  }
0x75: {  	[tilespmem:$0x520] =	vst v0  }
0x76: {  	[tilespmem:$0x530] =	vst v0  }
0x77: {  	[tilespmem:$0x540] =	vst v0  }
0x78: {  	[tilespmem:$0x550] =	vst v0  }
0x79: {  	[tilespmem:$0x560] =	vst v0  }
0x7a: {  	[tilespmem:$0x570] =	vst v0  }
0x7b: {  	[tilespmem:$0x580] =	vst v0  }
0x7c: {  	[tilespmem:$0x590] =	vst v0  }
0x7d: {  	[tilespmem:$0x5A0] =	vst v0  }
0x7e: {  	[tilespmem:$0x5B0] =	vst v0  }
0x7f: {  	[tilespmem:$0x5C0] =	vst v0  }
0x80: {  	[tilespmem:$0x5D0] =	vst v0  }
0x81: {  	[tilespmem:$0x5E0] =	vst v0  }
0x82: {  	[tilespmem:$0x5F0] =	vst v0  }
0x83: {  	[tilespmem:$0x600] =	vst v0  }
0x84: {  	[tilespmem:$0x610] =	vst v0  }
0x85: {  	[tilespmem:$0x620] =	vst v0  }
0x86: {  	[tilespmem:$0x630] =	vst v0  }
0x87: {  	[tilespmem:$0x640] =	vst v0  }
0x88: {  	[tilespmem:$0x650] =	vst v0  }
0x89: {  	[tilespmem:$0x660] =	vst v0  }
0x8a: {  	[tilespmem:$0x670] =	vst v0  }
0x8b: {  	[tilespmem:$0x680] =	vst v0  }
0x8c: {  	[tilespmem:$0x690] =	vst v0  }
0x8d: {  	[tilespmem:$0x6A0] =	vst v0  }
0x8e: {  	[tilespmem:$0x6B0] =	vst v0  }
0x8f: {  	[tilespmem:$0x6C0] =	vst v0  }
0x90: {  	[tilespmem:$0x6D0] =	vst v0  }
0x91: {  	[tilespmem:$0x6E0] =	vst v0  }
0x92: {  	[tilespmem:$0x6F0] =	vst v0  }
0x93: {  	[tilespmem:$0x700] =	vst v0  }
0x94: {  	[tilespmem:$0x710] =	vst v0  }
0x95: {  	[tilespmem:$0x720] =	vst v0  }
0x96: {  	[tilespmem:$0x730] =	vst v0  }
0x97: {  	[tilespmem:$0x740] =	vst v0  }
0x98: {  	[tilespmem:$0x750] =	vst v0  }
0x99: {  	[tilespmem:$0x760] =	vst v0  }
0x9a: {  	[tilespmem:$0x770] =	vst v0  }
0x9b: {  	[tilespmem:$0x780] =	vst v0  }
0x9c: {  	[tilespmem:$0x790] =	vst v0  }
0x9d: {  	[tilespmem:$0x7A0] =	vst v0  }
0x9e: {  	[tilespmem:$0x7B0] =	vst v0  }
0x9f: {  	[tilespmem:$0x7C0] =	vst v0  }
0xa0: {  	[tilespmem:$0x7D0] =	vst v0  }
0xa1: {  	[tilespmem:$0x7E0] =	vst v0  }
0xa2: {  	[tilespmem:$0x7F0] =	vst v0  }
0xa3: {  	[tilespmem:$0x800] =	vst v0  }
0xa4: {  	[tilespmem:$0x810] =	vst v0  }
0xa5: {  	[tilespmem:$0x820] =	vst v0  }
0xa6: {  	[tilespmem:$0x830] =	vst v0  }
0xa7: {  	[tilespmem:$0x840] =	vst v0  }
0xa8: {  	[tilespmem:$0x850] =	vst v0  }
0xa9: {  	[tilespmem:$0x860] =	vst v0  }
0xaa: {  	[tilespmem:$0x870] =	vst v0  }
0xab: {  	[tilespmem:$0x880] =	vst v0  }
0xac: {  	[tilespmem:$0x890] =	vst v0  }
0xad: {  	[tilespmem:$0x8A0] =	vst v0  }
0xae: {  	[tilespmem:$0x8B0] =	vst v0  }
0xaf: {  	[tilespmem:$0x8C0] =	vst v0  }
0xb0: {  	[tilespmem:$0x8D0] =	vst v0  }
0xb1: {  	[tilespmem:$0x8E0] =	vst v0  }
0xb2: {  	[tilespmem:$0x8F0] =	vst v0  }
0xb3: {  	[tilespmem:$0x900] =	vst v0  }
0xb4: {  	[tilespmem:$0x910] =	vst v0  }
0xb5: {  	[tilespmem:$0x920] =	vst v0  }
0xb6: {  	[tilespmem:$0x930] =	vst v0  }
0xb7: {  	[tilespmem:$0x940] =	vst v0  }
0xb8: {  	[tilespmem:$0x950] =	vst v0  }
0xb9: {  	[tilespmem:$0x960] =	vst v0  }
0xba: {  	[tilespmem:$0x970] =	vst v0  }
0xbb: {  	[tilespmem:$0x980] =	vst v0  }
0xbc: {  	[tilespmem:$0x990] =	vst v0  }
0xbd: {  	[tilespmem:$0x9A0] =	vst v0  }
0xbe: {  	[tilespmem:$0x9B0] =	vst v0  }
0xbf: {  	[tilespmem:$0x9C0] =	vst v0  }
0xc0: {  	[tilespmem:$0x9D0] =	vst v0  }
0xc1: {  	[tilespmem:$0x9E0] =	vst v0  }
0xc2: {  	[tilespmem:$0x9F0] =	vst v0  }
0xc3: {  	[tilespmem:$0xA00] =	vst v0  }
0xc4: {  	[tilespmem:$0xA10] =	vst v0  }
0xc5: {  	[tilespmem:$0xA20] =	vst v0  }
0xc6: {  	[tilespmem:$0xA30] =	vst v0  }
0xc7: {  	[tilespmem:$0xA40] =	vst v0  }
0xc8: {  	[tilespmem:$0xA50] =	vst v0  }
0xc9: {  	[tilespmem:$0xA60] =	vst v0  }
0xca: {  	[tilespmem:$0xA70] =	vst v0  }
0xcb: {  	[tilespmem:$0xA80] =	vst v0  }
0xcc: {  	[tilespmem:$0xA90] =	vst v0  }
0xcd: {  	[tilespmem:$0xAA0] =	vst v0  }
0xce: {  	[tilespmem:$0xAB0] =	vst v0  }
0xcf: {  	[tilespmem:$0xAC0] =	vst v0  }
0xd0: {  	[tilespmem:$0xAD0] =	vst v0  }
0xd1: {  	[tilespmem:$0xAE0] =	vst v0  }
0xd2: {  	[tilespmem:$0xAF0] =	vst v0  }
0xd3: {  	[tilespmem:$0xB00] =	vst v0  }
0xd4: {  	[tilespmem:$0xB10] =	vst v0  }
0xd5: {  	[tilespmem:$0xB20] =	vst v0  }
0xd6: {  	[tilespmem:$0xB30] =	vst v0  }
0xd7: {  	[tilespmem:$0xB40] =	vst v0  }
0xd8: {  	[tilespmem:$0xB50] =	vst v0  }
0xd9: {  	[tilespmem:$0xB60] =	vst v0  }
0xda: {  	[tilespmem:$0xB70] =	vst v0  }
0xdb: {  	[tilespmem:$0xB80] =	vst v0  }
0xdc: {  	[tilespmem:$0xB90] =	vst v0  }
0xdd: {  	[tilespmem:$0xBA0] =	vst v0  }
0xde: {  	[tilespmem:$0xBB0] =	vst v0  }
0xdf: {  	[tilespmem:$0xBC0] =	vst v0  }
0xe0: {  	[tilespmem:$0xBD0] =	vst v0  }
0xe1: {  	[tilespmem:$0xBE0] =	vst v0  }
0xe2: {  	[tilespmem:$0xBF0] =	vst v0  }
0xe3: {  	[tilespmem:$0xC00] =	vst v0  }
0xe4: {  	[tilespmem:$0xC10] =	vst v0  }
0xe5: {  	[tilespmem:$0xC20] =	vst v0  }
0xe6: {  	[tilespmem:$0xC30] =	vst v0  }
0xe7: {  	[tilespmem:$0xC40] =	vst v0  }
0xe8: {  	[tilespmem:$0xC50] =	vst v0  }
0xe9: {  	[tilespmem:$0xC60] =	vst v0  }
0xea: {  	[tilespmem:$0xC70] =	vst v0  }
0xeb: {  	[tilespmem:$0xC80] =	vst v0  }
0xec: {  	[tilespmem:$0xC90] =	vst v0  }
0xed: {  	[tilespmem:$0xCA0] =	vst v0  }
0xee: {  	[tilespmem:$0xCB0] =	vst v0  }
0xef: {  	[tilespmem:$0xCC0] =	vst v0  }
0xf0: {  	[tilespmem:$0xCD0] =	vst v0  }
0xf1: {  	[tilespmem:$0xCE0] =	vst v0  }
0xf2: {  	[tilespmem:$0xCF0] =	vst v0  }
0xf3: {  	[tilespmem:$0xD00] =	vst v0  }
0xf4: {  	[tilespmem:$0xD10] =	vst v0  }
0xf5: {  	[tilespmem:$0xD20] =	vst v0  }
0xf6: {  	[tilespmem:$0xD30] =	vst v0  }
0xf7: {  	[tilespmem:$0xD40] =	vst v0  }
0xf8: {  	[tilespmem:$0xD50] =	vst v0  }
0xf9: {  	[tilespmem:$0xD60] =	vst v0  }
0xfa: {  	[tilespmem:$0xD70] =	vst v0  }
0xfb: {  	[tilespmem:$0xD80] =	vst v0  }
0xfc: {  	[tilespmem:$0xD90] =	vst v0  }
0xfd: {  	[tilespmem:$0xDA0] =	vst v0  }
0xfe: {  	[tilespmem:$0xDB0] =	vst v0  }
0xff: {  	[tilespmem:$0xDC0] =	vst v0  }
0x100: {  	[tilespmem:$0xDD0] =	vst v0  }
0x101: {  	[tilespmem:$0xDE0] =	vst v0  }
0x102: {  	[tilespmem:$0xDF0] =	vst v0  }
0x103: {  	[tilespmem:$0xE00] =	vst v0  }
0x104: {  	[tilespmem:$0xE10] =	vst v0  }
0x105: {  	[tilespmem:$0xE20] =	vst v0  }
0x106: {  	[tilespmem:$0xE30] =	vst v0  }
0x107: {  	[tilespmem:$0xE40] =	vst v0  }
0x108: {  	[tilespmem:$0xE50] =	vst v0  }
0x109: {  	[tilespmem:$0xE60] =	vst v0  }
0x10a: {  	[tilespmem:$0xE70] =	vst v0  }
0x10b: {  	[tilespmem:$0xE80] =	vst v0  }
0x10c: {  	[tilespmem:$0xE90] =	vst v0  }
0x10d: {  	[tilespmem:$0xEA0] =	vst v0  }
0x10e: {  	[tilespmem:$0xEB0] =	vst v0  }
0x10f: {  	[tilespmem:$0xEC0] =	vst v0  }
0x110: {  	[tilespmem:$0xED0] =	vst v0  }
0x111: {  	[tilespmem:$0xEE0] =	vst v0  }
0x112: {  	[tilespmem:$0xEF0] =	vst v0  }
0x113: {  	[tilespmem:$0xF00] =	vst v0  }
0x114: {  	[tilespmem:$0xF10] =	vst v0  }
0x115: {  	[tilespmem:$0xF20] =	vst v0  }
0x116: {  	[tilespmem:$0xF30] =	vst v0  }
0x117: {  	[tilespmem:$0xF40] =	vst v0  }
0x118: {  	[tilespmem:$0xF50] =	vst v0  }
0x119: {  	[tilespmem:$0xF60] =	vst v0  }
0x11a: {  	[tilespmem:$0xF70] =	vst v0  }
0x11b: {  	[tilespmem:$0xF80] =	vst v0  }
0x11c: {  	[tilespmem:$0xF90] =	vst v0  }
0x11d: {  	[tilespmem:$0xFA0] =	vst v0  }
0x11e: {  	[tilespmem:$0xFB0] =	vst v0  }
0x11f: {  	[tilespmem:$0xFC0] =	vst v0  }
0x120: {  	[tilespmem:$0xFD0] =	vst v0  }
0x121: {  	[tilespmem:$0xFE0] =	vst v0  }
0x122: {  	[tilespmem:$0xFF0] =	vst v0  }
0x123: {  	[tilespmem:$0x1000] =	vst v0  }
0x124: {  	[tilespmem:$0x1010] =	vst v0  }
0x125: {  	[tilespmem:$0x1020] =	vst v0  }
0x126: {  	[tilespmem:$0x1030] =	vst v0  }
0x127: {  	[tilespmem:$0x1040] =	vst v0  }
0x128: {  	[tilespmem:$0x1050] =	vst v0  }
0x129: {  	[tilespmem:$0x1060] =	vst v0  }
0x12a: {  	[tilespmem:$0x1070] =	vst v0  }
0x12b: {  	[tilespmem:$0x1080] =	vst v0  }
0x12c: {  	[tilespmem:$0x1090] =	vst v0  }
0x12d: {  	[tilespmem:$0x10A0] =	vst v0  }
0x12e: {  	[tilespmem:$0x10B0] =	vst v0  }
0x12f: {  	[tilespmem:$0x10C0] =	vst v0  }
0x130: {  	[tilespmem:$0x10D0] =	vst v0  }
0x131: {  	[tilespmem:$0x10E0] =	vst v0  }
0x132: {  	[tilespmem:$0x10F0] =	vst v0  }
0x133: {  	[tilespmem:$0x1100] =	vst v0  }
0x134: {  	[tilespmem:$0x1110] =	vst v0  }
0x135: {  	[tilespmem:$0x1120] =	vst v0  }
0x136: {  	[tilespmem:$0x1130] =	vst v0  }
0x137: {  	[tilespmem:$0x1140] =	vst v0  }
0x138: {  	[tilespmem:$0x1150] =	vst v0  }
0x139: {  	[tilespmem:$0x1160] =	vst v0  }
0x13a: {  	[tilespmem:$0x1170] =	vst v0  }
0x13b: {  	[tilespmem:$0x1180] =	vst v0  }
0x13c: {  	[tilespmem:$0x1190] =	vst v0  }
0x13d: {  	[tilespmem:$0x11A0] =	vst v0  }
0x13e: {  	[tilespmem:$0x11B0] =	vst v0  }
0x13f: {  	[tilespmem:$0x11C0] =	vst v0  }
0x140: {  	[tilespmem:$0x11D0] =	vst v0  }
0x141: {  	[tilespmem:$0x11E0] =	vst v0  }
0x142: {  	[tilespmem:$0x11F0] =	vst v0  }
0x143: {  	[tilespmem:$0x1200] =	vst v0  }
0x144: {  	[tilespmem:$0x1210] =	vst v0  }
0x145: {  	[tilespmem:$0x1220] =	vst v0  }
0x146: {  	[tilespmem:$0x1230] =	vst v0  }
0x147: {  	[tilespmem:$0x1240] =	vst v0  }
0x148: {  	[tilespmem:$0x1250] =	vst v0  }
0x149: {  	[tilespmem:$0x1260] =	vst v0  }
0x14a: {  	[tilespmem:$0x1270] =	vst v0  }
0x14b: {  	[tilespmem:$0x1280] =	vst v0  }
0x14c: {  	[tilespmem:$0x1290] =	vst v0  }
0x14d: {  	[tilespmem:$0x12A0] =	vst v0  }
0x14e: {  	[tilespmem:$0x12B0] =	vst v0  }
0x14f: {  	[tilespmem:$0x12C0] =	vst v0  }
0x150: {  	[tilespmem:$0x12D0] =	vst v0  }
0x151: {  	[tilespmem:$0x12E0] =	vst v0  }
0x152: {  	[tilespmem:$0x12F0] =	vst v0  }
0x153: {  	[tilespmem:$0x1300] =	vst v0  }
0x154: {  	[tilespmem:$0x1310] =	vst v0  }
0x155: {  	[tilespmem:$0x1320] =	vst v0  }
0x156: {  	[tilespmem:$0x1330] =	vst v0  }
0x157: {  	[tilespmem:$0x1340] =	vst v0  }
0x158: {  	[tilespmem:$0x1350] =	vst v0  }
0x159: {  	[tilespmem:$0x1360] =	vst v0  }
0x15a: {  	[tilespmem:$0x1370] =	vst v0  }
0x15b: {  	[tilespmem:$0x1380] =	vst v0  }
0x15c: {  	[tilespmem:$0x1390] =	vst v0  }
0x15d: {  	[tilespmem:$0x13A0] =	vst v0  }
0x15e: {  	[tilespmem:$0x13B0] =	vst v0  }
0x15f: {  	[tilespmem:$0x13C0] =	vst v0  }
0x160: {  	[tilespmem:$0x13D0] =	vst v0  }
0x161: {  	[tilespmem:$0x13E0] =	vst v0  }
0x162: {  	[tilespmem:$0x13F0] =	vst v0  }
0x163: {  	[tilespmem:$0x1400] =	vst v0  }
0x164: {  	[tilespmem:$0x1410] =	vst v0  }
0x165: {  	[tilespmem:$0x1420] =	vst v0  }
0x166: {  	[tilespmem:$0x1430] =	vst v0  }
0x167: {  	[tilespmem:$0x1440] =	vst v0  }
0x168: {  	[tilespmem:$0x1450] =	vst v0  }
0x169: {  	[tilespmem:$0x1460] =	vst v0  }
0x16a: {  	[tilespmem:$0x1470] =	vst v0  }
0x16b: {  	[tilespmem:$0x1480] =	vst v0  }
0x16c: {  	[tilespmem:$0x1490] =	vst v0  }
0x16d: {  	[tilespmem:$0x14A0] =	vst v0  }
0x16e: {  	[tilespmem:$0x14B0] =	vst v0  }
0x16f: {  	[tilespmem:$0x14C0] =	vst v0  }
0x170: {  	[tilespmem:$0x14D0] =	vst v0  }
0x171: {  	[tilespmem:$0x14E0] =	vst v0  }
0x172: {  	[tilespmem:$0x14F0] =	vst v0  }
0x173: {  	[tilespmem:$0x1500] =	vst v0  }
0x174: {  	[tilespmem:$0x1510] =	vst v0  }
0x175: {  	[tilespmem:$0x1520] =	vst v0  }
0x176: {  	[tilespmem:$0x1530] =	vst v0  }
0x177: {  	[tilespmem:$0x1540] =	vst v0  }
0x178: {  	[tilespmem:$0x1550] =	vst v0  }
0x179: {  	[tilespmem:$0x1560] =	vst v0  }
0x17a: {  	[tilespmem:$0x1570] =	vst v0  }
0x17b: {  	[tilespmem:$0x1580] =	vst v0  }
0x17c: {  	[tilespmem:$0x1590] =	vst v0  }
0x17d: {  	[tilespmem:$0x15A0] =	vst v0  }
0x17e: {  	[tilespmem:$0x15B0] =	vst v0  }
0x17f: {  	[tilespmem:$0x15C0] =	vst v0  }
0x180: {  	[tilespmem:$0x15D0] =	vst v0  }
0x181: {  	[tilespmem:$0x15E0] =	vst v0  }
0x182: {  	[tilespmem:$0x15F0] =	vst v0  }
0x183: {  	[tilespmem:$0x1600] =	vst v0  }
0x184: {  	[tilespmem:$0x1610] =	vst v0  }
0x185: {  	[tilespmem:$0x1620] =	vst v0  }
0x186: {  	[tilespmem:$0x1630] =	vst v0  }
0x187: {  	[tilespmem:$0x1640] =	vst v0  }
0x188: {  	[tilespmem:$0x1650] =	vst v0  }
0x189: {  	[tilespmem:$0x1660] =	vst v0  }
0x18a: {  	[tilespmem:$0x1670] =	vst v0  }
0x18b: {  	[tilespmem:$0x1680] =	vst v0  }
0x18c: {  	[tilespmem:$0x1690] =	vst v0  }
0x18d: {  	[tilespmem:$0x16A0] =	vst v0  }
0x18e: {  	[tilespmem:$0x16B0] =	vst v0  }
0x18f: {  	[tilespmem:$0x16C0] =	vst v0  }
0x190: {  	[tilespmem:$0x16D0] =	vst v0  }
0x191: {  	[tilespmem:$0x16E0] =	vst v0  }
0x192: {  	[tilespmem:$0x16F0] =	vst v0  }
0x193: {  	[tilespmem:$0x1700] =	vst v0  }
0x194: {  	[tilespmem:$0x1710] =	vst v0  }
0x195: {  	[tilespmem:$0x1720] =	vst v0  }
0x196: {  	[tilespmem:$0x1730] =	vst v0  }
0x197: {  	[tilespmem:$0x1740] =	vst v0  }
0x198: {  	[tilespmem:$0x1750] =	vst v0  }
0x199: {  	[tilespmem:$0x1760] =	vst v0  }
0x19a: {  	[tilespmem:$0x1770] =	vst v0  }
0x19b: {  	[tilespmem:$0x1780] =	vst v0  }
0x19c: {  	[tilespmem:$0x1790] =	vst v0  }
0x19d: {  	[tilespmem:$0x17A0] =	vst v0  }
0x19e: {  	[tilespmem:$0x17B0] =	vst v0  }
0x19f: {  	[tilespmem:$0x17C0] =	vst v0  }
0x1a0: {  	[tilespmem:$0x17D0] =	vst v0  }
0x1a1: {  	[tilespmem:$0x17E0] =	vst v0  }
0x1a2: {  	[tilespmem:$0x17F0] =	vst v0  }
0x1a3: {  	[tilespmem:$0x1800] =	vst v0  }
0x1a4: {  	[tilespmem:$0x1810] =	vst v0  }
0x1a5: {  	[tilespmem:$0x1820] =	vst v0  }
0x1a6: {  	[tilespmem:$0x1830] =	vst v0  }
0x1a7: {  	[tilespmem:$0x1840] =	vst v0  }
0x1a8: {  	[tilespmem:$0x1850] =	vst v0  }
0x1a9: {  	[tilespmem:$0x1860] =	vst v0  }
0x1aa: {  	[tilespmem:$0x1870] =	vst v0  }
0x1ab: {  	[tilespmem:$0x1880] =	vst v0  }
0x1ac: {  	[tilespmem:$0x1890] =	vst v0  }
0x1ad: {  	[tilespmem:$0x18A0] =	vst v0  }
0x1ae: {  	[tilespmem:$0x18B0] =	vst v0  }
0x1af: {  	[tilespmem:$0x18C0] =	vst v0  }
0x1b0: {  	[tilespmem:$0x18D0] =	vst v0  }
0x1b1: {  	[tilespmem:$0x18E0] =	vst v0  }
0x1b2: {  	[tilespmem:$0x18F0] =	vst v0  }
0x1b3: {  	[tilespmem:$0x1900] =	vst v0  }
0x1b4: {  	[tilespmem:$0x1910] =	vst v0  }
0x1b5: {  	[tilespmem:$0x1920] =	vst v0  }
0x1b6: {  	[tilespmem:$0x1930] =	vst v0  }
0x1b7: {  	[tilespmem:$0x1940] =	vst v0  }
0x1b8: {  	[tilespmem:$0x1950] =	vst v0  }
0x1b9: {  	[tilespmem:$0x1960] =	vst v0  }
0x1ba: {  	[tilespmem:$0x1970] =	vst v0  }
0x1bb: {  	[tilespmem:$0x1980] =	vst v0  }
0x1bc: {  	[tilespmem:$0x1990] =	vst v0  }
0x1bd: {  	[tilespmem:$0x19A0] =	vst v0  }
0x1be: {  	[tilespmem:$0x19B0] =	vst v0  }
0x1bf: {  	[tilespmem:$0x19C0] =	vst v0  }
0x1c0: {  	[tilespmem:$0x19D0] =	vst v0  }
0x1c1: {  	[tilespmem:$0x19E0] =	vst v0  }
0x1c2: {  	[tilespmem:$0x19F0] =	vst v0  }
0x1c3: {  	[tilespmem:$0x1A00] =	vst v0  }
0x1c4: {  	[tilespmem:$0x1A10] =	vst v0  }
0x1c5: {  	[tilespmem:$0x1A20] =	vst v0  }
0x1c6: {  	[tilespmem:$0x1A30] =	vst v0  }
0x1c7: {  	[tilespmem:$0x1A40] =	vst v0  }
0x1c8: {  	[tilespmem:$0x1A50] =	vst v0  }
0x1c9: {  	[tilespmem:$0x1A60] =	vst v0  }
0x1ca: {  	[tilespmem:$0x1A70] =	vst v0  }
0x1cb: {  	[tilespmem:$0x1A80] =	vst v0  }
0x1cc: {  	[tilespmem:$0x1A90] =	vst v0  }
0x1cd: {  	[tilespmem:$0x1AA0] =	vst v0  }
0x1ce: {  	[tilespmem:$0x1AB0] =	vst v0  }
0x1cf: {  	[tilespmem:$0x1AC0] =	vst v0  }
0x1d0: {  	[tilespmem:$0x1AD0] =	vst v0  }
0x1d1: {  	[tilespmem:$0x1AE0] =	vst v0  }
0x1d2: {  	[tilespmem:$0x1AF0] =	vst v0  }
0x1d3: {  	[tilespmem:$0x1B00] =	vst v0  }
0x1d4: {  	[tilespmem:$0x1B10] =	vst v0  }
0x1d5: {  	[tilespmem:$0x1B20] =	vst v0  }
0x1d6: {  	[tilespmem:$0x1B30] =	vst v0  }
0x1d7: {  	[tilespmem:$0x1B40] =	vst v0  }
0x1d8: {  	[tilespmem:$0x1B50] =	vst v0  }
0x1d9: {  	[tilespmem:$0x1B60] =	vst v0  }
0x1da: {  	[tilespmem:$0x1B70] =	vst v0  }
0x1db: {  	[tilespmem:$0x1B80] =	vst v0  }
0x1dc: {  	[tilespmem:$0x1B90] =	vst v0  }
0x1dd: {  	[tilespmem:$0x1BA0] =	vst v0  }
0x1de: {  	[tilespmem:$0x1BB0] =	vst v0  }
0x1df: {  	[tilespmem:$0x1BC0] =	vst v0  }
0x1e0: {  	[tilespmem:$0x1BD0] =	vst v0  }
0x1e1: {  	[tilespmem:$0x1BE0] =	vst v0  }
0x1e2: {  	[tilespmem:$0x1BF0] =	vst v0  }
0x1e3: {  	[tilespmem:$0x1C00] =	vst v0  }
0x1e4: {  	[tilespmem:$0x1C10] =	vst v0  }
0x1e5: {  	[tilespmem:$0x1C20] =	vst v0  }
0x1e6: {  	[tilespmem:$0x1C30] =	vst v0  }
0x1e7: {  	[tilespmem:$0x1C40] =	vst v0  }
0x1e8: {  	[tilespmem:$0x1C50] =	vst v0  }
0x1e9: {  	[tilespmem:$0x1C60] =	vst v0  }
0x1ea: {  	[tilespmem:$0x1C70] =	vst v0  }
0x1eb: {  	[tilespmem:$0x1C80] =	vst v0  }
0x1ec: {  	[tilespmem:$0x1C90] =	vst v0  }
0x1ed: {  	[tilespmem:$0x1CA0] =	vst v0  }
0x1ee: {  	[tilespmem:$0x1CB0] =	vst v0  }
0x1ef: {  	[tilespmem:$0x1CC0] =	vst v0  }
0x1f0: {  	[tilespmem:$0x1CD0] =	vst v0  }
0x1f1: {  	[tilespmem:$0x1CE0] =	vst v0  }
0x1f2: {  	[tilespmem:$0x1CF0] =	vst v0  }
0x1f3: {  	[tilespmem:$0x1D00] =	vst v0  }
0x1f4: {  	[tilespmem:$0x1D10] =	vst v0  }
0x1f5: {  	[tilespmem:$0x1D20] =	vst v0  }
0x1f6: {  	[tilespmem:$0x1D30] =	vst v0  }
0x1f7: {  	[tilespmem:$0x1D40] =	vst v0  }
0x1f8: {  	[tilespmem:$0x1D50] =	vst v0  }
0x1f9: {  	[tilespmem:$0x1D60] =	vst v0  }
0x1fa: {  	[tilespmem:$0x1D70] =	vst v0  }
0x1fb: {  	[tilespmem:$0x1D80] =	vst v0  }
0x1fc: {  	[tilespmem:$0x1D90] =	vst v0  }
0x1fd: {  	[tilespmem:$0x1DA0] =	vst v0  }
0x1fe: {  	[tilespmem:$0x1DB0] =	vst v0  }
0x1ff: {  	[tilespmem:$0x1DC0] =	vst v0  }
0x200: {  	[tilespmem:$0x1DD0] =	vst v0  }
0x201: {  	[tilespmem:$0x1DE0] =	vst v0  }
0x202: {  	[tilespmem:$0x1DF0] =	vst v0  }
0x203: {  	[tilespmem:$0x1E00] =	vst v0  }
0x204: {  	[tilespmem:$0x1E10] =	vst v0  }
0x205: {  	[tilespmem:$0x1E20] =	vst v0  }
0x206: {  	[tilespmem:$0x1E30] =	vst v0  }
0x207: {  	[tilespmem:$0x1E40] =	vst v0  }
0x208: {  	[tilespmem:$0x1E50] =	vst v0  }
0x209: {  	[tilespmem:$0x1E60] =	vst v0  }
0x20a: {  	[tilespmem:$0x1E70] =	vst v0  }
0x20b: {  	[tilespmem:$0x1E80] =	vst v0  }
0x20c: {  	[tilespmem:$0x1E90] =	vst v0  }
0x20d: {  	[tilespmem:$0x1EA0] =	vst v0  }
0x20e: {  	[tilespmem:$0x1EB0] =	vst v0  }
0x20f: {  	[tilespmem:$0x1EC0] =	vst v0  }
0x210: {  	[tilespmem:$0x1ED0] =	vst v0  }
0x211: {  	[tilespmem:$0x1EE0] =	vst v0  }
0x212: {  	[tilespmem:$0x1EF0] =	vst v0  }
0x213: {  	[tilespmem:$0x1F00] =	vst v0  }
0x214: {  	[tilespmem:$0x1F10] =	vst v0  }
0x215: {  	[tilespmem:$0x1F20] =	vst v0  }
0x216: {  	[tilespmem:$0x1F30] =	vst v0  }
0x217: {  	[tilespmem:$0x1F40] =	vst v0  }
0x218: {  	[tilespmem:$0x1F50] =	vst v0  }
0x219: {  	[tilespmem:$0x1F60] =	vst v0  }
0x21a: {  	[tilespmem:$0x1F70] =	vst v0  }
0x21b: {  	[tilespmem:$0x1F80] =	vst v0  }
0x21c: {  	[tilespmem:$0x1F90] =	vst v0  }
0x21d: {  	[tilespmem:$0x1FA0] =	vst v0  }
0x21e: {  	[tilespmem:$0x1FB0] =	vst v0  }
0x21f: {  	[tilespmem:$0x1FC0] =	vst v0  }
0x220: {  	[tilespmem:$0x1FD0] =	vst v0  }
0x221: {  	[tilespmem:$0x1FE0] =	vst v0  }
0x222: {  	[tilespmem:$0x1FF0] =	vst v0  }
0x223: {  	[tilespmem:$0x2000] =	vst v0  }
0x224: {  	[tilespmem:$0x2010] =	vst v0  }
0x225: {  	[tilespmem:$0x2020] =	vst v0  }
0x226: {  	[tilespmem:$0x2030] =	vst v0  }
0x227: {  	[tilespmem:$0x2040] =	vst v0  }
0x228: {  	[tilespmem:$0x2050] =	vst v0  }
0x229: {  	[tilespmem:$0x2060] =	vst v0  }
0x22a: {  	[tilespmem:$0x2070] =	vst v0  }
0x22b: {  	[tilespmem:$0x2080] =	vst v0  }
0x22c: {  	[tilespmem:$0x2090] =	vst v0  }
0x22d: {  	[tilespmem:$0x20A0] =	vst v0  }
0x22e: {  	[tilespmem:$0x20B0] =	vst v0  }
0x22f: {  	[tilespmem:$0x20C0] =	vst v0  }
0x230: {  	[tilespmem:$0x20D0] =	vst v0  }
0x231: {  	[tilespmem:$0x20E0] =	vst v0  }
0x232: {  	[tilespmem:$0x20F0] =	vst v0  }
0x233: {  	[tilespmem:$0x2100] =	vst v0  }
0x234: {  	[tilespmem:$0x2110] =	vst v0  }
0x235: {  	[tilespmem:$0x2120] =	vst v0  }
0x236: {  	[tilespmem:$0x2130] =	vst v0  }
0x237: {  	[tilespmem:$0x2140] =	vst v0  }
0x238: {  	[tilespmem:$0x2150] =	vst v0  }
0x239: {  	[tilespmem:$0x2160] =	vst v0  }
0x23a: {  	[tilespmem:$0x2170] =	vst v0  }
0x23b: {  	[tilespmem:$0x2180] =	vst v0  }
0x23c: {  	[tilespmem:$0x2190] =	vst v0  }
0x23d: {  	[tilespmem:$0x21A0] =	vst v0  }
0x23e: {  	[tilespmem:$0x21B0] =	vst v0  }
0x23f: {  	[tilespmem:$0x21C0] =	vst v0  }
0x240: {  	[tilespmem:$0x21D0] =	vst v0  }
0x241: {  	[tilespmem:$0x21E0] =	vst v0  }
0x242: {  	[tilespmem:$0x21F0] =	vst v0  }
0x243: {  	[tilespmem:$0x2200] =	vst v0  }
0x244: {  	[tilespmem:$0x2210] =	vst v0  }
0x245: {  	[tilespmem:$0x2220] =	vst v0  }
0x246: {  	[tilespmem:$0x2230] =	vst v0  }
0x247: {  	[tilespmem:$0x2240] =	vst v0  }
0x248: {  	[tilespmem:$0x2250] =	vst v0  }
0x249: {  	[tilespmem:$0x2260] =	vst v0  }
0x24a: {  	[tilespmem:$0x2270] =	vst v0  }
0x24b: {  	[tilespmem:$0x2280] =	vst v0  }
0x24c: {  	[tilespmem:$0x2290] =	vst v0  }
0x24d: {  	[tilespmem:$0x22A0] =	vst v0  }
0x24e: {  	[tilespmem:$0x22B0] =	vst v0  }
0x24f: {  	[tilespmem:$0x22C0] =	vst v0  }
0x250: {  	[tilespmem:$0x22D0] =	vst v0  }
0x251: {  	[tilespmem:$0x22E0] =	vst v0  }
0x252: {  	[tilespmem:$0x22F0] =	vst v0  }
0x253: {  	[tilespmem:$0x2300] =	vst v0  }
0x254: {  	[tilespmem:$0x2310] =	vst v0  }
0x255: {  	[tilespmem:$0x2320] =	vst v0  }
0x256: {  	[tilespmem:$0x2330] =	vst v0  }
0x257: {  	[tilespmem:$0x2340] =	vst v0  }
0x258: {  	[tilespmem:$0x2350] =	vst v0  }
0x259: {  	[tilespmem:$0x2360] =	vst v0  }
0x25a: {  	[tilespmem:$0x2370] =	vst v0  }
0x25b: {  	[tilespmem:$0x2380] =	vst v0  }
0x25c: {  	[tilespmem:$0x2390] =	vst v0  }
0x25d: {  	[tilespmem:$0x23A0] =	vst v0  }
0x25e: {  	[tilespmem:$0x23B0] =	vst v0  }
0x25f: {  	[tilespmem:$0x23C0] =	vst v0  }
0x260: {  	[tilespmem:$0x23D0] =	vst v0  }
0x261: {  	[tilespmem:$0x23E0] =	vst v0  }
0x262: {  	[tilespmem:$0x23F0] =	vst v0  }
0x263: {  	[tilespmem:$0x2400] =	vst v0  }
0x264: {  	[tilespmem:$0x2410] =	vst v0  }
0x265: {  	[tilespmem:$0x2420] =	vst v0  }
0x266: {  	[tilespmem:$0x2430] =	vst v0  }
0x267: {  	[tilespmem:$0x2440] =	vst v0  }
0x268: {  	[tilespmem:$0x2450] =	vst v0  }
0x269: {  	[tilespmem:$0x2460] =	vst v0  }
0x26a: {  	[tilespmem:$0x2470] =	vst v0  }
0x26b: {  	[tilespmem:$0x2480] =	vst v0  }
0x26c: {  	[tilespmem:$0x2490] =	vst v0  }
0x26d: {  	[tilespmem:$0x24A0] =	vst v0  }
0x26e: {  	[tilespmem:$0x24B0] =	vst v0  }
0x26f: {  	[tilespmem:$0x24C0] =	vst v0  }
0x270: {  	[tilespmem:$0x24D0] =	vst v0  }
0x271: {  	[tilespmem:$0x24E0] =	vst v0  }
0x272: {  	[tilespmem:$0x24F0] =	vst v0  }
0x273: {  	[tilespmem:$0x2500] =	vst v0  }
0x274: {  	[tilespmem:$0x2510] =	vst v0  }
0x275: {  	[tilespmem:$0x2520] =	vst v0  }
0x276: {  	[tilespmem:$0x2530] =	vst v0  }
0x277: {  	[tilespmem:$0x2540] =	vst v0  }
0x278: {  	[tilespmem:$0x2550] =	vst v0  }
0x279: {  	[tilespmem:$0x2560] =	vst v0  }
0x27a: {  	[tilespmem:$0x2570] =	vst v0  }
0x27b: {  	[tilespmem:$0x2580] =	vst v0  }
0x27c: {  	[tilespmem:$0x2590] =	vst v0  }
0x27d: {  	[tilespmem:$0x25A0] =	vst v0  }
0x27e: {  	[tilespmem:$0x25B0] =	vst v0  }
0x27f: {  	[tilespmem:$0x25C0] =	vst v0  }
0x280: {  	[tilespmem:$0x25D0] =	vst v0  }
0x281: {  	[tilespmem:$0x25E0] =	vst v0  }
0x282: {  	[tilespmem:$0x25F0] =	vst v0  }
0x283: {  	[tilespmem:$0x2600] =	vst v0  }
0x284: {  	[tilespmem:$0x2610] =	vst v0  }
0x285: {  	[tilespmem:$0x2620] =	vst v0  }
0x286: {  	[tilespmem:$0x2630] =	vst v0  }
0x287: {  	[tilespmem:$0x2640] =	vst v0  }
0x288: {  	[tilespmem:$0x2650] =	vst v0  }
0x289: {  	[tilespmem:$0x2660] =	vst v0  }
0x28a: {  	[tilespmem:$0x2670] =	vst v0  }
0x28b: {  	[tilespmem:$0x2680] =	vst v0  }
0x28c: {  	[tilespmem:$0x2690] =	vst v0  }
0x28d: {  	[tilespmem:$0x26A0] =	vst v0  }
0x28e: {  	[tilespmem:$0x26B0] =	vst v0  }
0x28f: {  	[tilespmem:$0x26C0] =	vst v0  }
0x290: {  	[tilespmem:$0x26D0] =	vst v0  }
0x291: {  	[tilespmem:$0x26E0] =	vst v0  }
0x292: {  	[tilespmem:$0x26F0] =	vst v0  }
0x293: {  	[tilespmem:$0x2700] =	vst v0  }
0x294: {  	[tilespmem:$0x2710] =	vst v0  }
0x295: {  	[tilespmem:$0x2720] =	vst v0  }
0x296: {  	[tilespmem:$0x2730] =	vst v0  }
0x297: {  	[tilespmem:$0x2740] =	vst v0  }
0x298: {  	[tilespmem:$0x2750] =	vst v0  }
0x299: {  	[tilespmem:$0x2760] =	vst v0  }
0x29a: {  	[tilespmem:$0x2770] =	vst v0  }
0x29b: {  	[tilespmem:$0x2780] =	vst v0  }
0x29c: {  	[tilespmem:$0x2790] =	vst v0  }
0x29d: {  	[tilespmem:$0x27A0] =	vst v0  }
0x29e: {  	[tilespmem:$0x27B0] =	vst v0  }
0x29f: {  	[tilespmem:$0x27C0] =	vst v0  }
0x2a0: {  	[tilespmem:$0x27D0] =	vst v0  }
0x2a1: {  	[tilespmem:$0x27E0] =	vst v0  }
0x2a2: {  	[tilespmem:$0x27F0] =	vst v0  }
0x2a3: {  	[tilespmem:$0x2800] =	vst v0  }
0x2a4: {  	[tilespmem:$0x2810] =	vst v0  }
0x2a5: {  	[tilespmem:$0x2820] =	vst v0  }
0x2a6: {  	[tilespmem:$0x2830] =	vst v0  }
0x2a7: {  	[tilespmem:$0x2840] =	vst v0  }
0x2a8: {  	[tilespmem:$0x2850] =	vst v0  }
0x2a9: {  	[tilespmem:$0x2860] =	vst v0  }
0x2aa: {  	[tilespmem:$0x2870] =	vst v0  }
0x2ab: {  	[tilespmem:$0x2880] =	vst v0  }
0x2ac: {  	[tilespmem:$0x2890] =	vst v0  }
0x2ad: {  	[tilespmem:$0x28A0] =	vst v0  }
0x2ae: {  	[tilespmem:$0x28B0] =	vst v0  }
0x2af: {  	[tilespmem:$0x28C0] =	vst v0  }
0x2b0: {  	[tilespmem:$0x28D0] =	vst v0  }
0x2b1: {  	[tilespmem:$0x28E0] =	vst v0  }
0x2b2: {  	[tilespmem:$0x28F0] =	vst v0  }
0x2b3: {  	[tilespmem:$0x2900] =	vst v0  }
0x2b4: {  	[tilespmem:$0x2910] =	vst v0  }
0x2b5: {  	[tilespmem:$0x2920] =	vst v0  }
0x2b6: {  	[tilespmem:$0x2930] =	vst v0  }
0x2b7: {  	[tilespmem:$0x2940] =	vst v0  }
0x2b8: {  	[tilespmem:$0x2950] =	vst v0  }
0x2b9: {  	[tilespmem:$0x2960] =	vst v0  }
0x2ba: {  	[tilespmem:$0x2970] =	vst v0  }
0x2bb: {  	[tilespmem:$0x2980] =	vst v0  }
0x2bc: {  	[tilespmem:$0x2990] =	vst v0  }
0x2bd: {  	[tilespmem:$0x29A0] =	vst v0  }
0x2be: {  	[tilespmem:$0x29B0] =	vst v0  }
0x2bf: {  	[tilespmem:$0x29C0] =	vst v0  }
0x2c0: {  	[tilespmem:$0x29D0] =	vst v0  }
0x2c1: {  	[tilespmem:$0x29E0] =	vst v0  }
0x2c2: {  	[tilespmem:$0x29F0] =	vst v0  }
0x2c3: {  	[tilespmem:$0x2A00] =	vst v0  }
0x2c4: {  	[tilespmem:$0x2A10] =	vst v0  }
0x2c5: {  	[tilespmem:$0x2A20] =	vst v0  }
0x2c6: {  	[tilespmem:$0x2A30] =	vst v0  }
0x2c7: {  	[tilespmem:$0x2A40] =	vst v0  }
0x2c8: {  	[tilespmem:$0x2A50] =	vst v0  }
0x2c9: {  	[tilespmem:$0x2A60] =	vst v0  }
0x2ca: {  	[tilespmem:$0x2A70] =	vst v0  }
0x2cb: {  	[tilespmem:$0x2A80] =	vst v0  }
0x2cc: {  	[tilespmem:$0x2A90] =	vst v0  }
0x2cd: {  	[tilespmem:$0x2AA0] =	vst v0  }
0x2ce: {  	[tilespmem:$0x2AB0] =	vst v0  }
0x2cf: {  	[tilespmem:$0x2AC0] =	vst v0  }
0x2d0: {  	[tilespmem:$0x2AD0] =	vst v0  }
0x2d1: {  	[tilespmem:$0x2AE0] =	vst v0  }
0x2d2: {  	[tilespmem:$0x2AF0] =	vst v0  }
0x2d3: {  	[tilespmem:$0x2B00] =	vst v0  }
0x2d4: {  	[tilespmem:$0x2B10] =	vst v0  }
0x2d5: {  	[tilespmem:$0x2B20] =	vst v0  }
0x2d6: {  	[tilespmem:$0x2B30] =	vst v0  }
0x2d7: {  	[tilespmem:$0x2B40] =	vst v0  }
0x2d8: {  	[tilespmem:$0x2B50] =	vst v0  }
0x2d9: {  	[tilespmem:$0x2B60] =	vst v0  }
0x2da: {  	[tilespmem:$0x2B70] =	vst v0  }
0x2db: {  	[tilespmem:$0x2B80] =	vst v0  }
0x2dc: {  	[tilespmem:$0x2B90] =	vst v0  }
0x2dd: {  	[tilespmem:$0x2BA0] =	vst v0  }
0x2de: {  	[tilespmem:$0x2BB0] =	vst v0  }
0x2df: {  	[tilespmem:$0x2BC0] =	vst v0  }
0x2e0: {  	[tilespmem:$0x2BD0] =	vst v0  }
0x2e1: {  	[tilespmem:$0x2BE0] =	vst v0  }
0x2e2: {  	[tilespmem:$0x2BF0] =	vst v0  }
0x2e3: {  	[tilespmem:$0x2C00] =	vst v0  }
0x2e4: {  	[tilespmem:$0x2C10] =	vst v0  }
0x2e5: {  	[tilespmem:$0x2C20] =	vst v0  }
0x2e6: {  	[tilespmem:$0x2C30] =	vst v0  }
0x2e7: {  	[tilespmem:$0x2C40] =	vst v0  }
0x2e8: {  	[tilespmem:$0x2C50] =	vst v0  }
0x2e9: {  	[tilespmem:$0x2C60] =	vst v0  }
0x2ea: {  	[tilespmem:$0x2C70] =	vst v0  }
0x2eb: {  	[tilespmem:$0x2C80] =	vst v0  }
0x2ec: {  	[tilespmem:$0x2C90] =	vst v0  }
0x2ed: {  	[tilespmem:$0x2CA0] =	vst v0  }
0x2ee: {  	[tilespmem:$0x2CB0] =	vst v0  }
0x2ef: {  	[tilespmem:$0x2CC0] =	vst v0  }
0x2f0: {  	[tilespmem:$0x2CD0] =	vst v0  }
0x2f1: {  	[tilespmem:$0x2CE0] =	vst v0  }
0x2f2: {  	[tilespmem:$0x2CF0] =	vst v0  }
0x2f3: {  	[tilespmem:$0x2D00] =	vst v0  }
0x2f4: {  	[tilespmem:$0x2D10] =	vst v0  }
0x2f5: {  	[tilespmem:$0x2D20] =	vst v0  }
0x2f6: {  	[tilespmem:$0x2D30] =	vst v0  }
0x2f7: {  	[tilespmem:$0x2D40] =	vst v0  }
0x2f8: {  	[tilespmem:$0x2D50] =	vst v0  }
0x2f9: {  	[tilespmem:$0x2D60] =	vst v0  }
0x2fa: {  	[tilespmem:$0x2D70] =	vst v0  }
0x2fb: {  	[tilespmem:$0x2D80] =	vst v0  }
0x2fc: {  	[tilespmem:$0x2D90] =	vst v0  }
0x2fd: {  	[tilespmem:$0x2DA0] =	vst v0  }
0x2fe: {  	[tilespmem:$0x2DB0] =	vst v0  }
0x2ff: {  	[tilespmem:$0x2DC0] =	vst v0  }
0x300: {  	[tilespmem:$0x2DD0] =	vst v0  }
0x301: {  	[tilespmem:$0x2DE0] =	vst v0  }
0x302: {  	[tilespmem:$0x2DF0] =	vst v0  }
0x303: {  	[tilespmem:$0x2E00] =	vst v0  }
0x304: {  	[tilespmem:$0x2E10] =	vst v0  }
0x305: {  	[tilespmem:$0x2E20] =	vst v0  }
0x306: {  	[tilespmem:$0x2E30] =	vst v0  }
0x307: {  	[tilespmem:$0x2E40] =	vst v0  }
0x308: {  	[tilespmem:$0x2E50] =	vst v0  }
0x309: {  	[tilespmem:$0x2E60] =	vst v0  }
0x30a: {  	[tilespmem:$0x2E70] =	vst v0  }
0x30b: {  	[tilespmem:$0x2E80] =	vst v0  }
0x30c: {  	[tilespmem:$0x2E90] =	vst v0  }
0x30d: {  	[tilespmem:$0x2EA0] =	vst v0  }
0x30e: {  	[tilespmem:$0x2EB0] =	vst v0  }
0x30f: {  	[tilespmem:$0x2EC0] =	vst v0  }
0x310: {  	[tilespmem:$0x2ED0] =	vst v0  }
0x311: {  	[tilespmem:$0x2EE0] =	vst v0  }
0x312: {  	[tilespmem:$0x2EF0] =	vst v0  }
0x313: {  	[tilespmem:$0x2F00] =	vst v0  }
0x314: {  	[tilespmem:$0x2F10] =	vst v0  }
0x315: {  	[tilespmem:$0x2F20] =	vst v0  }
0x316: {  	[tilespmem:$0x2F30] =	vst v0  }
0x317: {  	[tilespmem:$0x2F40] =	vst v0  }
0x318: {  	[tilespmem:$0x2F50] =	vst v0  }
0x319: {  	[tilespmem:$0x2F60] =	vst v0  }
0x31a: {  	[tilespmem:$0x2F70] =	vst v0  }
0x31b: {  	[tilespmem:$0x2F80] =	vst v0  }
0x31c: {  	[tilespmem:$0x2F90] =	vst v0  }
0x31d: {  	[tilespmem:$0x2FA0] =	vst v0  }
0x31e: {  	[tilespmem:$0x2FB0] =	vst v0  }
0x31f: {  	[tilespmem:$0x2FC0] =	vst v0  }
0x320: {  	[tilespmem:$0x2FD0] =	vst v0  }
0x321: {  	[tilespmem:$0x2FE0] =	vst v0  }
0x322: {  	[tilespmem:$0x2FF0] =	vst v0  }
0x323: {  	[tilespmem:$0x3000] =	vst v0  }
0x324: {  	[tilespmem:$0x3010] =	vst v0  }
0x325: {  	[tilespmem:$0x3020] =	vst v0  }
0x326: {  	[tilespmem:$0x3030] =	vst v0  }
0x327: {  	[tilespmem:$0x3040] =	vst v0  }
0x328: {  	[tilespmem:$0x3050] =	vst v0  }
0x329: {  	[tilespmem:$0x3060] =	vst v0  }
0x32a: {  	[tilespmem:$0x3070] =	vst v0  }
0x32b: {  	[tilespmem:$0x3080] =	vst v0  }
0x32c: {  	[tilespmem:$0x3090] =	vst v0  }
0x32d: {  	[tilespmem:$0x30A0] =	vst v0  }
0x32e: {  	[tilespmem:$0x30B0] =	vst v0  }
0x32f: {  	[tilespmem:$0x30C0] =	vst v0  }
0x330: {  	[tilespmem:$0x30D0] =	vst v0  }
0x331: {  	[tilespmem:$0x30E0] =	vst v0  }
0x332: {  	[tilespmem:$0x30F0] =	vst v0  }
0x333: {  	[tilespmem:$0x3100] =	vst v0  }
0x334: {  	[tilespmem:$0x3110] =	vst v0  }
0x335: {  	[tilespmem:$0x3120] =	vst v0  }
0x336: {  	[tilespmem:$0x3130] =	vst v0  }
0x337: {  	[tilespmem:$0x3140] =	vst v0  }
0x338: {  	[tilespmem:$0x3150] =	vst v0  }
0x339: {  	[tilespmem:$0x3160] =	vst v0  }
0x33a: {  	[tilespmem:$0x3170] =	vst v0  }
0x33b: {  	[tilespmem:$0x3180] =	vst v0  }
0x33c: {  	[tilespmem:$0x3190] =	vst v0  }
0x33d: {  	[tilespmem:$0x31A0] =	vst v0  }
0x33e: {  	[tilespmem:$0x31B0] =	vst v0  }
0x33f: {  	[tilespmem:$0x31C0] =	vst v0  }
0x340: {  	[tilespmem:$0x31D0] =	vst v0  }
0x341: {  	[tilespmem:$0x31E0] =	vst v0  }
0x342: {  	[tilespmem:$0x31F0] =	vst v0  }
0x343: {  	[tilespmem:$0x3200] =	vst v0  }
0x344: {  	[tilespmem:$0x3210] =	vst v0  }
0x345: {  	[tilespmem:$0x3220] =	vst v0  }
0x346: {  	[tilespmem:$0x3230] =	vst v0  }
0x347: {  	[tilespmem:$0x3240] =	vst v0  }
0x348: {  	[tilespmem:$0x3250] =	vst v0  }
0x349: {  	[tilespmem:$0x3260] =	vst v0  }
0x34a: {  	[tilespmem:$0x3270] =	vst v0  }
0x34b: {  	[tilespmem:$0x3280] =	vst v0  }
0x34c: {  	[tilespmem:$0x3290] =	vst v0  }
0x34d: {  	[tilespmem:$0x32A0] =	vst v0  }
0x34e: {  	[tilespmem:$0x32B0] =	vst v0  }
0x34f: {  	[tilespmem:$0x32C0] =	vst v0  }
0x350: {  	[tilespmem:$0x32D0] =	vst v0  }
0x351: {  	[tilespmem:$0x32E0] =	vst v0  }
0x352: {  	[tilespmem:$0x32F0] =	vst v0  }
0x353: {  	[tilespmem:$0x3300] =	vst v0  }
0x354: {  	[tilespmem:$0x3310] =	vst v0  }
0x355: {  	[tilespmem:$0x3320] =	vst v0  }
0x356: {  	[tilespmem:$0x3330] =	vst v0  }
0x357: {  	[tilespmem:$0x3340] =	vst v0  }
0x358: {  	[tilespmem:$0x3350] =	vst v0  }
0x359: {  	[tilespmem:$0x3360] =	vst v0  }
0x35a: {  	[tilespmem:$0x3370] =	vst v0  }
0x35b: {  	[tilespmem:$0x3380] =	vst v0  }
0x35c: {  	[tilespmem:$0x3390] =	vst v0  }
0x35d: {  	[tilespmem:$0x33A0] =	vst v0  }
0x35e: {  	[tilespmem:$0x33B0] =	vst v0  }
0x35f: {  	[tilespmem:$0x33C0] =	vst v0  }
0x360: {  	[tilespmem:$0x33D0] =	vst v0  }
0x361: {  	[tilespmem:$0x33E0] =	vst v0  }
0x362: {  	[tilespmem:$0x33F0] =	vst v0  }
0x363: {  	[tilespmem:$0x3400] =	vst v0  }
0x364: {  	[tilespmem:$0x3410] =	vst v0  }
0x365: {  	[tilespmem:$0x3420] =	vst v0  }
0x366: {  	[tilespmem:$0x3430] =	vst v0  }
0x367: {  	[tilespmem:$0x3440] =	vst v0  }
0x368: {  	[tilespmem:$0x3450] =	vst v0  }
0x369: {  	[tilespmem:$0x3460] =	vst v0  }
0x36a: {  	[tilespmem:$0x3470] =	vst v0  }
0x36b: {  	[tilespmem:$0x3480] =	vst v0  }
0x36c: {  	[tilespmem:$0x3490] =	vst v0  }
0x36d: {  	[tilespmem:$0x34A0] =	vst v0  }
0x36e: {  	[tilespmem:$0x34B0] =	vst v0  }
0x36f: {  	[tilespmem:$0x34C0] =	vst v0  }
0x370: {  	[tilespmem:$0x34D0] =	vst v0  }
0x371: {  	[tilespmem:$0x34E0] =	vst v0  }
0x372: {  	[tilespmem:$0x34F0] =	vst v0  }
0x373: {  	[tilespmem:$0x3500] =	vst v0  }
0x374: {  	[tilespmem:$0x3510] =	vst v0  }
0x375: {  	[tilespmem:$0x3520] =	vst v0  }
0x376: {  	[tilespmem:$0x3530] =	vst v0  }
0x377: {  	[tilespmem:$0x3540] =	vst v0  }
0x378: {  	[tilespmem:$0x3550] =	vst v0  }
0x379: {  	[tilespmem:$0x3560] =	vst v0  }
0x37a: {  	[tilespmem:$0x3570] =	vst v0  }
0x37b: {  	[tilespmem:$0x3580] =	vst v0  }
0x37c: {  	[tilespmem:$0x3590] =	vst v0  }
0x37d: {  	[tilespmem:$0x35A0] =	vst v0  }
0x37e: {  	[tilespmem:$0x35B0] =	vst v0  }
0x37f: {  	[tilespmem:$0x35C0] =	vst v0  }
0x380: {  	[tilespmem:$0x35D0] =	vst v0  }
0x381: {  	[tilespmem:$0x35E0] =	vst v0  }
0x382: {  	[tilespmem:$0x35F0] =	vst v0  }
0x383: {  	[tilespmem:$0x3600] =	vst v0  }
0x384: {  	[tilespmem:$0x3610] =	vst v0  }
0x385: {  	[tilespmem:$0x3620] =	vst v0  }
0x386: {  	[tilespmem:$0x3630] =	vst v0  }
0x387: {  	[tilespmem:$0x3640] =	vst v0  }
0x388: {  	[tilespmem:$0x3650] =	vst v0  }
0x389: {  	[tilespmem:$0x3660] =	vst v0  }
0x38a: {  	[tilespmem:$0x3670] =	vst v0  }
0x38b: {  	[tilespmem:$0x3680] =	vst v0  }
0x38c: {  	[tilespmem:$0x3690] =	vst v0  }
0x38d: {  	[tilespmem:$0x36A0] =	vst v0  }
0x38e: {  	[tilespmem:$0x36B0] =	vst v0  }
0x38f: {  	[tilespmem:$0x36C0] =	vst v0  }
0x390: {  	[tilespmem:$0x36D0] =	vst v0  }
0x391: {  	[tilespmem:$0x36E0] =	vst v0  }
0x392: {  	[tilespmem:$0x36F0] =	vst v0  }
0x393: {  	[tilespmem:$0x3700] =	vst v0  }
0x394: {  	[tilespmem:$0x3710] =	vst v0  }
0x395: {  	[tilespmem:$0x3720] =	vst v0  }
0x396: {  	[tilespmem:$0x3730] =	vst v0  }
0x397: {  	[tilespmem:$0x3740] =	vst v0  }
0x398: {  	[tilespmem:$0x3750] =	vst v0  }
0x399: {  	[tilespmem:$0x3760] =	vst v0  }
0x39a: {  	[tilespmem:$0x3770] =	vst v0  }
0x39b: {  	[tilespmem:$0x3780] =	vst v0  }
0x39c: {  	[tilespmem:$0x3790] =	vst v0  }
0x39d: {  	[tilespmem:$0x37A0] =	vst v0  }
0x39e: {  	[tilespmem:$0x37B0] =	vst v0  }
0x39f: {  	[tilespmem:$0x37C0] =	vst v0  }
0x3a0: {  	[tilespmem:$0x37D0] =	vst v0  }
0x3a1: {  	[tilespmem:$0x37E0] =	vst v0  }
0x3a2: {  	[tilespmem:$0x37F0] =	vst v0  }
0x3a3: {  	[tilespmem:$0x3800] =	vst v0  }
0x3a4: {  	[tilespmem:$0x3810] =	vst v0  }
0x3a5: {  	[tilespmem:$0x3820] =	vst v0  }
0x3a6: {  	[tilespmem:$0x3830] =	vst v0  }
0x3a7: {  	[tilespmem:$0x3840] =	vst v0  }
0x3a8: {  	[tilespmem:$0x3850] =	vst v0  }
0x3a9: {  	[tilespmem:$0x3860] =	vst v0  }
0x3aa: {  	[tilespmem:$0x3870] =	vst v0  }
0x3ab: {  	[tilespmem:$0x3880] =	vst v0  }
0x3ac: {  	[tilespmem:$0x3890] =	vst v0  }
0x3ad: {  	[tilespmem:$0x38A0] =	vst v0  }
0x3ae: {  	[tilespmem:$0x38B0] =	vst v0  }
0x3af: {  	[tilespmem:$0x38C0] =	vst v0  }
0x3b0: {  	[tilespmem:$0x38D0] =	vst v0  }
0x3b1: {  	[tilespmem:$0x38E0] =	vst v0  }
0x3b2: {  	[tilespmem:$0x38F0] =	vst v0  }
0x3b3: {  	[tilespmem:$0x3900] =	vst v0  }
0x3b4: {  	[tilespmem:$0x3910] =	vst v0  }
0x3b5: {  	[tilespmem:$0x3920] =	vst v0  }
0x3b6: {  	[tilespmem:$0x3930] =	vst v0  }
0x3b7: {  	[tilespmem:$0x3940] =	vst v0  }
0x3b8: {  	[tilespmem:$0x3950] =	vst v0  }
0x3b9: {  	[tilespmem:$0x3960] =	vst v0  }
0x3ba: {  	[tilespmem:$0x3970] =	vst v0  }
0x3bb: {  	[tilespmem:$0x3980] =	vst v0  }
0x3bc: {  	[tilespmem:$0x3990] =	vst v0  }
0x3bd: {  	[tilespmem:$0x39A0] =	vst v0  }
0x3be: {  	[tilespmem:$0x39B0] =	vst v0  }
0x3bf: {  	[tilespmem:$0x39C0] =	vst v0  }
0x3c0: {  	[tilespmem:$0x39D0] =	vst v0  }
0x3c1: {  	[tilespmem:$0x39E0] =	vst v0  }
0x3c2: {  	[tilespmem:$0x39F0] =	vst v0  }
0x3c3: {  	[tilespmem:$0x3A00] =	vst v0  }
0x3c4: {  	[tilespmem:$0x3A10] =	vst v0  }
0x3c5: {  	[tilespmem:$0x3A20] =	vst v0  }
0x3c6: {  	[tilespmem:$0x3A30] =	vst v0  }
0x3c7: {  	[tilespmem:$0x3A40] =	vst v0  }
0x3c8: {  	[tilespmem:$0x3A50] =	vst v0  }
0x3c9: {  	[tilespmem:$0x3A60] =	vst v0  }
0x3ca: {  	[tilespmem:$0x3A70] =	vst v0  }
0x3cb: {  	[tilespmem:$0x3A80] =	vst v0  }
0x3cc: {  	[tilespmem:$0x3A90] =	vst v0  }
0x3cd: {  	[tilespmem:$0x3AA0] =	vst v0  }
0x3ce: {  	[tilespmem:$0x3AB0] =	vst v0  }
0x3cf: {  	[tilespmem:$0x3AC0] =	vst v0  }
0x3d0: {  	[tilespmem:$0x3AD0] =	vst v0  }
0x3d1: {  	[tilespmem:$0x3AE0] =	vst v0  }
0x3d2: {  	[tilespmem:$0x3AF0] =	vst v0  }
0x3d3: {  	[tilespmem:$0x3B00] =	vst v0  }
0x3d4: {  	[tilespmem:$0x3B10] =	vst v0  }
0x3d5: {  	[tilespmem:$0x3B20] =	vst v0  }
0x3d6: {  	[tilespmem:$0x3B30] =	vst v0  }
0x3d7: {  	[tilespmem:$0x3B40] =	vst v0  }
0x3d8: {  	[tilespmem:$0x3B50] =	vst v0  }
0x3d9: {  	[tilespmem:$0x3B60] =	vst v0  }
0x3da: {  	[tilespmem:$0x3B70] =	vst v0  }
0x3db: {  	[tilespmem:$0x3B80] =	vst v0  }
0x3dc: {  	[tilespmem:$0x3B90] =	vst v0  }
0x3dd: {  	[tilespmem:$0x3BA0] =	vst v0  }
0x3de: {  	[tilespmem:$0x3BB0] =	vst v0  }
0x3df: {  	[tilespmem:$0x3BC0] =	vst v0  }
0x3e0: {  	[tilespmem:$0x3BD0] =	vst v0  }
0x3e1: {  	[tilespmem:$0x3BE0] =	vst v0  }
0x3e2: {  	[tilespmem:$0x3BF0] =	vst v0  }
0x3e3: {  	[tilespmem:$0x3C00] =	vst v0  }
0x3e4: {  	[tilespmem:$0x3C10] =	vst v0  }
0x3e5: {  	[tilespmem:$0x3C20] =	vst v0  }
0x3e6: {  	[tilespmem:$0x3C30] =	vst v0  }
0x3e7: {  	[tilespmem:$0x3C40] =	vst v0  }
0x3e8: {  	[tilespmem:$0x3C50] =	vst v0  }
0x3e9: {  	[tilespmem:$0x3C60] =	vst v0  }
0x3ea: {  	[tilespmem:$0x3C70] =	vst v0  }
0x3eb: {  	[tilespmem:$0x3C80] =	vst v0  }
0x3ec: {  	[tilespmem:$0x3C90] =	vst v0  }
0x3ed: {  	[tilespmem:$0x3CA0] =	vst v0  }
0x3ee: {  	[tilespmem:$0x3CB0] =	vst v0  }
0x3ef: {  	[tilespmem:$0x3CC0] =	vst v0  }
0x3f0: {  	[tilespmem:$0x3CD0] =	vst v0  }
0x3f1: {  	[tilespmem:$0x3CE0] =	vst v0  }
0x3f2: {  	[tilespmem:$0x3CF0] =	vst v0  }
0x3f3: {  	[tilespmem:$0x3D00] =	vst v0  }
0x3f4: {  	[tilespmem:$0x3D10] =	vst v0  }
0x3f5: {  	[tilespmem:$0x3D20] =	vst v0  }
0x3f6: {  	[tilespmem:$0x3D30] =	vst v0  }
0x3f7: {  	[tilespmem:$0x3D40] =	vst v0  }
0x3f8: {  	[tilespmem:$0x3D50] =	vst v0  }
0x3f9: {  	[tilespmem:$0x3D60] =	vst v0  }
0x3fa: {  	[tilespmem:$0x3D70] =	vst v0  }
0x3fb: {  	[tilespmem:$0x3D80] =	vst v0  }
0x3fc: {  	[tilespmem:$0x3D90] =	vst v0  }
0x3fd: {  	[tilespmem:$0x3DA0] =	vst v0  }
0x3fe: {  	[tilespmem:$0x3DB0] =	vst v0  }
0x3ff: {  	[tilespmem:$0x3DC0] =	vst v0  }
0x400: {  	[tilespmem:$0x3DD0] =	vst v0  }
0x401: {  	[tilespmem:$0x3DE0] =	vst v0  }
0x402: {  	[tilespmem:$0x3DF0] =	vst v0  }
0x403: {  	[tilespmem:$0x3E00] =	vst v0  }
0x404: {  	[tilespmem:$0x3E10] =	vst v0  }
0x405: {  	[tilespmem:$0x3E20] =	vst v0  }
0x406: {  	[tilespmem:$0x3E30] =	vst v0  }
0x407: {  	[tilespmem:$0x3E40] =	vst v0  }
0x408: {  	[tilespmem:$0x3E50] =	vst v0  }
0x409: {  	[tilespmem:$0x3E60] =	vst v0  }
0x40a: {  	[tilespmem:$0x3E70] =	vst v0  }
0x40b: {  	[tilespmem:$0x3E80] =	vst v0  }
0x40c: {  	[tilespmem:$0x3E90] =	vst v0  }
0x40d: {  	[tilespmem:$0x3EA0] =	vst v0  }
0x40e: {  	[tilespmem:$0x3EB0] =	vst v0  }
0x40f: {  	[tilespmem:$0x3EC0] =	vst v0  }
0x410: {  	[tilespmem:$0x3ED0] =	vst v0  }
0x411: {  	[tilespmem:$0x3EE0] =	vst v0  }
0x412: {  	[tilespmem:$0x3EF0] =	vst v0  }
0x413: {  	[tilespmem:$0x3F00] =	vst v0  }
0x414: {  	[tilespmem:$0x3F10] =	vst v0  }
0x415: {  	[tilespmem:$0x3F20] =	vst v0  }
0x416: {  	[tilespmem:$0x3F30] =	vst v0  }
0x417: {  	[tilespmem:$0x3F40] =	vst v0  }
0x418: {  	[tilespmem:$0x3F50] =	vst v0  }
0x419: {  	[tilespmem:$0x3F60] =	vst v0  }
0x41a: {  	[tilespmem:$0x3F70] =	vst v0  }
0x41b: {  	[tilespmem:$0x3F80] =	vst v0  }
0x41c: {  	[tilespmem:$0x3F90] =	vst v0  }
0x41d: {  	[tilespmem:$0x3FA0] =	vst v0  }
0x41e: {  	[tilespmem:$0x3FB0] =	vst v0  }
0x41f: {  	[tilespmem:$0x3FC0] =	vst v0  }
0x420: {  	[tilespmem:$0x3FD0] =	vst v0  }
0x421: {  	[tilespmem:$0x3FE0] =	vst v0  }
0x422: {  	[tilespmem:$0x3FF0] =	vst v0  }
0x423: {  	[tilespmem:$0x4000] =	vst v0  }
0x424: {  	[tilespmem:$0x4010] =	vst v0  }
0x425: {  	[tilespmem:$0x4020] =	vst v0  }
0x426: {  	[tilespmem:$0x4030] =	vst v0  }
0x427: {  	[tilespmem:$0x4040] =	vst v0  }
0x428: {  	[tilespmem:$0x4050] =	vst v0  }
0x429: {  	[tilespmem:$0x4060] =	vst v0  }
0x42a: {  	[tilespmem:$0x4070] =	vst v0  }
0x42b: {  	[tilespmem:$0x4080] =	vst v0  }
0x42c: {  	[tilespmem:$0x4090] =	vst v0  }
0x42d: {  	[tilespmem:$0x40A0] =	vst v0  }
0x42e: {  	[tilespmem:$0x40B0] =	vst v0  }
0x42f: {  	[tilespmem:$0x40C0] =	vst v0  }
0x430: {  	[tilespmem:$0x40D0] =	vst v0  }
0x431: {  	[tilespmem:$0x40E0] =	vst v0  }
0x432: {  	[tilespmem:$0x40F0] =	vst v0  }
0x433: {  	[tilespmem:$0x4100] =	vst v0  }
0x434: {  	[tilespmem:$0x4110] =	vst v0  }
0x435: {  	[tilespmem:$0x4120] =	vst v0  }
0x436: {  	[tilespmem:$0x4130] =	vst v0  }
0x437: {  	[tilespmem:$0x4140] =	vst v0  }
0x438: {  	[tilespmem:$0x4150] =	vst v0  }
0x439: {  	[tilespmem:$0x4160] =	vst v0  }
0x43a: {  	[tilespmem:$0x4170] =	vst v0  }
0x43b: {  	[tilespmem:$0x4180] =	vst v0  }
0x43c: {  	[tilespmem:$0x4190] =	vst v0  }
0x43d: {  	[tilespmem:$0x41A0] =	vst v0  }
0x43e: {  	[tilespmem:$0x41B0] =	vst v0  }
0x43f: {  	[tilespmem:$0x41C0] =	vst v0  }
0x440: {  	[tilespmem:$0x41D0] =	vst v0  }
0x441: {  	[tilespmem:$0x41E0] =	vst v0  }
0x442: {  	[tilespmem:$0x41F0] =	vst v0  }
0x443: {  	[tilespmem:$0x4200] =	vst v0  }
0x444: {  	[tilespmem:$0x4210] =	vst v0  }
0x445: {  	[tilespmem:$0x4220] =	vst v0  }
0x446: {  	[tilespmem:$0x4230] =	vst v0  }
0x447: {  	[tilespmem:$0x4240] =	vst v0  }
0x448: {  	[tilespmem:$0x4250] =	vst v0  }
0x449: {  	[tilespmem:$0x4260] =	vst v0  }
0x44a: {  	[tilespmem:$0x4270] =	vst v0  }
0x44b: {  	[tilespmem:$0x4280] =	vst v0  }
0x44c: {  	[tilespmem:$0x4290] =	vst v0  }
0x44d: {  	[tilespmem:$0x42A0] =	vst v0  }
0x44e: {  	[tilespmem:$0x42B0] =	vst v0  }
0x44f: {  	[tilespmem:$0x42C0] =	vst v0  }
0x450: {  	[tilespmem:$0x42D0] =	vst v0  }
0x451: {  	[tilespmem:$0x42E0] =	vst v0  }
0x452: {  	[tilespmem:$0x42F0] =	vst v0  }
0x453: {  	[tilespmem:$0x4300] =	vst v0  }
0x454: {  	[tilespmem:$0x4310] =	vst v0  }
0x455: {  	[tilespmem:$0x4320] =	vst v0  }
0x456: {  	[tilespmem:$0x4330] =	vst v0  }
0x457: {  	[tilespmem:$0x4340] =	vst v0  }
0x458: {  	[tilespmem:$0x4350] =	vst v0  }
0x459: {  	[tilespmem:$0x4360] =	vst v0  }
0x45a: {  	[tilespmem:$0x4370] =	vst v0  }
0x45b: {  	[tilespmem:$0x4380] =	vst v0  }
0x45c: {  	[tilespmem:$0x4390] =	vst v0  }
0x45d: {  	[tilespmem:$0x43A0] =	vst v0  }
0x45e: {  	[tilespmem:$0x43B0] =	vst v0  }
0x45f: {  	[tilespmem:$0x43C0] =	vst v0  }
0x460: {  	[tilespmem:$0x43D0] =	vst v0  }
0x461: {  	[tilespmem:$0x43E0] =	vst v0  }
0x462: {  	[tilespmem:$0x43F0] =	vst v0  }
0x463: {  	[tilespmem:$0x4400] =	vst v0  }
0x464: {  	[tilespmem:$0x4410] =	vst v0  }
0x465: {  	[tilespmem:$0x4420] =	vst v0  }
0x466: {  	[tilespmem:$0x4430] =	vst v0  }
0x467: {  	[tilespmem:$0x4440] =	vst v0  }
0x468: {  	[tilespmem:$0x4450] =	vst v0  }
0x469: {  	[tilespmem:$0x4460] =	vst v0  }
0x46a: {  	[tilespmem:$0x4470] =	vst v0  }
0x46b: {  	[tilespmem:$0x4480] =	vst v0  }
0x46c: {  	[tilespmem:$0x4490] =	vst v0  }
0x46d: {  	[tilespmem:$0x44A0] =	vst v0  }
0x46e: {  	[tilespmem:$0x44B0] =	vst v0  }
0x46f: {  	[tilespmem:$0x44C0] =	vst v0  }
0x470: {  	[tilespmem:$0x44D0] =	vst v0  }
0x471: {  	[tilespmem:$0x44E0] =	vst v0  }
0x472: {  	[tilespmem:$0x44F0] =	vst v0  }
0x473: {  	[tilespmem:$0x4500] =	vst v0  }
0x474: {  	[tilespmem:$0x4510] =	vst v0  }
0x475: {  	[tilespmem:$0x4520] =	vst v0  }
0x476: {  	[tilespmem:$0x4530] =	vst v0  }
0x477: {  	[tilespmem:$0x4540] =	vst v0  }
0x478: {  	[tilespmem:$0x4550] =	vst v0  }
0x479: {  	[tilespmem:$0x4560] =	vst v0  }
0x47a: {  	[tilespmem:$0x4570] =	vst v0  }
0x47b: {  	[tilespmem:$0x4580] =	vst v0  }
0x47c: {  	[tilespmem:$0x4590] =	vst v0  }
0x47d: {  	[tilespmem:$0x45A0] =	vst v0  }
0x47e: {  	[tilespmem:$0x45B0] =	vst v0  }
0x47f: {  	[tilespmem:$0x45C0] =	vst v0  }
0x480: {  	[tilespmem:$0x45D0] =	vst v0  }
0x481: {  	[tilespmem:$0x45E0] =	vst v0  }
0x482: {  	[tilespmem:$0x45F0] =	vst v0  }
0x483: {  	[tilespmem:$0x4600] =	vst v0  }
0x484: {  	[tilespmem:$0x4610] =	vst v0  }
0x485: {  	[tilespmem:$0x4620] =	vst v0  }
0x486: {  	[tilespmem:$0x4630] =	vst v0  }
0x487: {  	[tilespmem:$0x4640] =	vst v0  }
0x488: {  	[tilespmem:$0x4650] =	vst v0  }
0x489: {  	[tilespmem:$0x4660] =	vst v0  }
0x48a: {  	[tilespmem:$0x4670] =	vst v0  }
0x48b: {  	[tilespmem:$0x4680] =	vst v0  }
0x48c: {  	[tilespmem:$0x4690] =	vst v0  }
0x48d: {  	[spmem:s17] =	stream.linear.scatter [tilespmem:s13], [sflag:$0x3], $0x3E80, $0x38;
	[tilespmem:$0x1A630] =	vst v63  }
0x48e: {  	_ =	swait.ge [sflag:s0], $0x3E80  }
0x48f: {  	[sflag:s0] =	ssyncset.done $0x0  }
0x490: {  	[sflag:s0] =	ssyncadd.s32 $0xFFFFC180  }
0x491: {  	[spmem:s18] =	stream.linear.scatter [tilespmem:s1], [sflag:$0x3], $0x7D0, $0x38;
	[tilespmem:$0x1A630] =	vst v63  }
0x492: {  	_ =	swait.ge [sflag:s0], $0x7D0  }
0x493: {  	[sflag:s0] =	ssyncset.done $0x0  }
0x494: {  	[sflag:s0] =	ssyncadd.s32 $0xFFFFF830  }
0x495: {  	[spmem:s19] =	stream.linear.scatter [tilespmem:s13], [sflag:$0x3], $0x3E80, $0x38;
	[tilespmem:$0x1A630] =	vst v63  }
0x496: {  	_ =	swait.ge [sflag:s0], $0x3E80  }
0x497: {  	[sflag:s0] =	ssyncset.done $0x0  }
0x498: {  	[sflag:s0] =	ssyncadd.s32 $0xFFFFC180  }
0x499: {  	[spmem:s20] =	stream.linear.scatter [tilespmem:s1], [sflag:$0x3], $0x7D0, $0x38;
	[tilespmem:$0x1A630] =	vst v63  }
0x49a: {  	_ =	swait.ge [sflag:s0], $0x7D0  }
0x49b: {  	[sflag:s0] =	ssyncset.done $0x0  }
0x49c: {  	[sflag:s0] =	ssyncadd.s32 $0xFFFFF830  }
0x49d: {  	[spmem:s21] =	stream.linear.scatter [tilespmem:s13], [sflag:$0x3], $0x3E80, $0x38;
	[tilespmem:$0x1A630] =	vst v63  }
0x49e: {  	_ =	swait.ge [sflag:s0], $0x3E80  }
0x49f: {  	[sflag:s0] =	ssyncset.done $0x0  }
0x4a0: {  	[sflag:s0] =	ssyncadd.s32 $0xFFFFC180  }
0x4a1: {  	[spmem:s22] =	stream.linear.scatter [tilespmem:s1], [sflag:$0x3], $0x7D0, $0x38;
	[tilespmem:$0x1A630] =	vst v63  }
0x4a2: {  	_ =	swait.ge [sflag:s0], $0x7D0  }
0x4a3: {  	[sflag:s0] =	ssyncset.done $0x0  }
0x4a4: {  	[sflag:s0] =	ssyncadd.s32 $0xFFFFF830  }
0x4a5: {  	[spmem:s23] =	stream.linear.scatter [tilespmem:s13], [sflag:$0x3], $0x3E80, $0x38;
	[tilespmem:$0x1A630] =	vst v63  }
0x4a6: {  	_ =	swait.ge [sflag:s0], $0x3E80  }
0x4a7: {  	[sflag:s0] =	ssyncset.done $0x0  }
0x4a8: {  	[sflag:s0] =	ssyncadd.s32 $0xFFFFC180  }
0x4a9: {  	[spmem:s24] =	stream.linear.scatter [tilespmem:s1], [sflag:$0x3], $0x7D0, $0x38;
	[tilespmem:$0x1A630] =	vst v63  }
0x4aa: {  	_ =	swait.ge [sflag:s0], $0x7D0  }
0x4ab: {  	[sflag:s0] =	ssyncset.done $0x0  }
0x4ac: {  	[sflag:s0] =	ssyncadd.s32 $0xFFFFF830  }
0x4ad: {  	[spmem:s25] =	stream.linear.scatter [tilespmem:s13], [sflag:$0x3], $0x3E80, $0x38;
	[tilespmem:$0x1A630] =	vst v63  }
0x4ae: {  	_ =	swait.ge [sflag:s0], $0x3E80  }
0x4af: {  	[sflag:s0] =	ssyncset.done $0x0  }
0x4b0: {  	[sflag:s0] =	ssyncadd.s32 $0xFFFFC180  }
0x4b1: {  	[spmem:s26] =	stream.linear.scatter [tilespmem:s1], [sflag:$0x3], $0x7D0, $0x38;
	[tilespmem:$0x1A630] =	vst v63  }
0x4b2: {  	_ =	swait.ge [sflag:s0], $0x7D0  }
0x4b3: {  	[sflag:s0] =	ssyncset.done $0x0  }
0x4b4: {  	[sflag:s0] =	ssyncadd.s32 $0xFFFFF830  }
0x4b5: {  	s5 =	sadd.s32 $0x0, s31;
	[bflag:$0x0] =	sbarrier.arrive $0xFFFF  }
0x4b6: {  	[tilespmem:s10], [sflag:$0x3] =	stream.linear.gather [hbm4b:s5+s10], $0x50, $0x38;
	[tilespmem:$0x1A630] =	vst v63  }
0x4b7: {  	_ =	swait.ge [sflag:s0], $0x50  }
0x4b8: {  	[sflag:s0] =	ssyncset.done $0x0  }
0x4b9: {  	[sflag:s0] =	ssyncadd.s32 $0xFFFFFFB0  }
0x4ba: {  	[tilespmem:s13], [sflag:$0x3] =	stream.linear.gather [hbm4b:s30+s10], $0x2800, $0x38;
	[tilespmem:$0x1A630] =	vst v63  }
0x4bb: {  	_ =	swait.ge [sflag:s0], $0x2800  }
0x4bc: {  	[sflag:s0] =	ssyncset.done $0x0  }
0x4bd: {  	[sflag:s0] =	ssyncadd.s32 $0xFFFFD800  }
0x4be: {  	[tilespmem:s1], [sflag:$0x3] =	stream.linear.gather [hbm4b:s29+s10], $0x500, $0x38;
	[tilespmem:$0x1A630] =	vst v63  }
0x4bf: {  	_ =	swait.ge [sflag:s0], $0x500  }
0x4c0: {  	[sflag:s0] =	ssyncset.done $0x0  }
0x4c1: {  	[sflag:s0] =	ssyncadd.s32 $0xFFFFFB00  }
0x4c2: {  	[spmem:s12] =	stream.indirect.scatter.add.f32 [tilespmem:s13], [sflag:$0x1], $0x80, s10, s13, $0xb8;
	[tilespmem:$0x1A630] =	vst v63  }
0x4c3: {  	_ = 	snop  }
0x4c4: {  	[spmem:s14] =	stream.indirect.scatter.add.f32 [tilespmem:s1], [sflag:$0x2], $0x10, s10, s13, $0xb8;
	[tilespmem:$0x1A630] =	vst v63  }
0x4c5: {  	_ =	swait.ge [sflag:s2], $0x2800  }
0x4c6: {  	[sflag:s2] =	ssyncset.done $0x0  }
0x4c7: {  	[sflag:s2] =	ssyncadd.s32 $0xFFFFD800  }
0x4c8: {  	s7 =	simm.s32 $0xA;
	s8 =	simm.s32 $0x14;
	_ =	swait.ge [sflag:s3], $0x500  }
0x4c9: {  	s6 =	sadd.s32 $0x500, s30;
	s5 =	sadd.s32 $0xA0, s29;
	[sflag:s3] =	ssyncset.done $0x0  }
.LBB2_2:
0x4ca: {  	s9 =	sadd.s32 s7, s31  }
0x4cb: {  	[sflag:s3] =	ssyncadd.s32 $0xFFFFFB00;
	s7 =	smov.u32 s8;
	s11 =	sadd.s32 $0xA, s8  }
0x4cc: {  	[tilespmem:s10], [sflag:$0x3] =	stream.linear.gather [hbm4b:s9+s10], $0x50, $0x38;
	[tilespmem:$0x1A630] =	vst v63  }
0x4cd: {  	p0 =	sne.s32 s8, $0x4D8;
	_ =	swait.ge [sflag:s0], $0x50  }
0x4ce: {  	[sflag:s0] =	ssyncset.done $0x0  }
0x4cf: {  	[sflag:s0] =	ssyncadd.s32 $0xFFFFFFB0  }
0x4d0: {  	[tilespmem:s13], [sflag:$0x3] =	stream.linear.gather [hbm4b:s6+s10], $0x2800, $0x38;
	[tilespmem:$0x1A630] =	vst v63  }
0x4d1: {  	_ =	swait.ge [sflag:s0], $0x2800  }
0x4d2: {  	[sflag:s0] =	ssyncset.done $0x0  }
0x4d3: {  	[sflag:s0] =	ssyncadd.s32 $0xFFFFD800  }
0x4d4: {  	[tilespmem:s1], [sflag:$0x3] =	stream.linear.gather [hbm4b:s5+s10], $0x500, $0x38;
	[tilespmem:$0x1A630] =	vst v63  }
0x4d5: {  	_ =	swait.ge [sflag:s0], $0x500  }
0x4d6: {  	[sflag:s0] =	ssyncset.done $0x0  }
0x4d7: {  	[sflag:s0] =	ssyncadd.s32 $0xFFFFFB00  }
0x4d8: {  	[spmem:s12] =	stream.indirect.scatter.add.f32 [tilespmem:s13], [sflag:$0x1], $0x80, s10, s13, $0xb8;
	[tilespmem:$0x1A630] =	vst v63  }
0x4d9: {  	_ = 	snop  }
0x4da: {  	[spmem:s14] =	stream.indirect.scatter.add.f32 [tilespmem:s1], [sflag:$0x2], $0x10, s10, s13, $0xb8;
	[tilespmem:$0x1A630] =	vst v63  }
.Ltmp0:
0x4db: {  	_ =	swait.ge [sflag:s2], $0x2800;
	(pc) =	sbr.rel @p0 .LBB2_2-.Ltmp0, $4  }
0x4dc: {  	[sflag:s2] =	ssyncset.done $0x0  }
0x4dd: {  	[sflag:s2] =	ssyncadd.s32 $0xFFFFD800  }
0x4de: {  	s8 =	smov.u32 s11;
	_ =	swait.ge [sflag:s3], $0x500  }
0x4df: {  	s6 =	sadd.s32 $0x500, s6;
	s5 =	sadd.s32 $0xA0, s5;
	[sflag:s3] =	ssyncset.done $0x0  }
0x4e0: {  	s7 =	sadd.s32 s7, s31;
	[sflag:s3] =	ssyncadd.s32 $0xFFFFFB00  }
0x4e1: {  	[tilespmem:s10], [sflag:$0x3] =	stream.linear.gather [hbm4b:s7+s10], $0x50, $0x38;
	[tilespmem:$0x1A630] =	vst v63  }
0x4e2: {  	_ =	swait.ge [sflag:s0], $0x50  }
0x4e3: {  	[sflag:s0] =	ssyncset.done $0x0  }
0x4e4: {  	[sflag:s0] =	ssyncadd.s32 $0xFFFFFFB0  }
0x4e5: {  	[tilespmem:s13], [sflag:$0x3] =	stream.linear.gather [hbm4b:s6+s10], $0x2800, $0x38;
	[tilespmem:$0x1A630] =	vst v63  }
0x4e6: {  	_ =	swait.ge [sflag:s0], $0x2800  }
0x4e7: {  	[sflag:s0] =	ssyncset.done $0x0  }
0x4e8: {  	[sflag:s0] =	ssyncadd.s32 $0xFFFFD800  }
0x4e9: {  	[tilespmem:s1], [sflag:$0x3] =	stream.linear.gather [hbm4b:s5+s10], $0x500, $0x38;
	[tilespmem:$0x1A630] =	vst v63  }
0x4ea: {  	_ =	swait.ge [sflag:s0], $0x500  }
0x4eb: {  	[sflag:s0] =	ssyncset.done $0x0  }
0x4ec: {  	[sflag:s0] =	ssyncadd.s32 $0xFFFFFB00  }
0x4ed: {  	[spmem:s12] =	stream.indirect.scatter.add.f32 [tilespmem:s13], [sflag:$0x1], $0x80, s10, s13, $0xb8;
	[tilespmem:$0x1A630] =	vst v63  }
0x4ee: {  	_ = 	snop  }
0x4ef: {  	[spmem:s14] =	stream.indirect.scatter.add.f32 [tilespmem:s1], [sflag:$0x2], $0x10, s10, s13, $0xb8;
	[tilespmem:$0x1A630] =	vst v63  }
0x4f0: {  	_ =	swait.ge [sflag:s2], $0x2800  }
0x4f1: {  	[sflag:s2] =	ssyncset.done $0x0  }
0x4f2: {  	[sflag:s2] =	ssyncadd.s32 $0xFFFFD800  }
0x4f3: {  	_ =	swait.ge [sflag:s3], $0x500  }
0x4f4: {  	[sflag:s3] =	ssyncset.done $0x0  }
0x4f5: {  	[sflag:s3] =	ssyncadd.s32 $0xFFFFFB00  }
0x4f6: {  	[bflag:$0x0] =	sbarrier.arrive $0xFFFF  }
0x4f7: {  	[tilespmem:s13], [sflag:$0x3] =	stream.linear.gather [spmem:s15], $0x3E80, $0x38;
	[tilespmem:$0x1A630] =	vst v63  }
0x4f8: {  	_ =	swait.ge [sflag:s0], $0x3E80  }
0x4f9: {  	[sflag:s0] =	ssyncset.done $0x0  }
0x4fa: {  	s6 =	rddreg [dreg:$0x4];
	[sflag:s0] =	ssyncadd.s32 $0xFFFFC180  }
0x4fb: {  	[hbm4b:s6+s10] =	stream.linear.scatter [tilespmem:s13], [sflag:$0x3], $0x3E80, $0x38;
	[tilespmem:$0x1A630] =	vst v63  }
0x4fc: {  	_ =	swait.ge [sflag:s0], $0x3E80  }
0x4fd: {  	[sflag:s0] =	ssyncset.done $0x0  }
0x4fe: {  	[sflag:s0] =	ssyncadd.s32 $0xFFFFC180  }
0x4ff: {  	[tilespmem:s1], [sflag:$0x3] =	stream.linear.gather [spmem:s28], $0x7D0, $0x38;
	[tilespmem:$0x1A630] =	vst v63  }
0x500: {  	_ =	swait.ge [sflag:s0], $0x7D0  }
0x501: {  	[sflag:s0] =	ssyncset.done $0x0  }
0x502: {  	s7 =	rddreg [dreg:$0x5];
	[sflag:s0] =	ssyncadd.s32 $0xFFFFF830  }
0x503: {  	[hbm4b:s7+s10] =	stream.linear.scatter [tilespmem:s1], [sflag:$0x3], $0x7D0, $0x38;
	[tilespmem:$0x1A630] =	vst v63  }
0x504: {  	_ =	swait.ge [sflag:s0], $0x7D0  }
0x505: {  	[sflag:s0] =	ssyncset.done $0x0  }
0x506: {  	[sflag:s0] =	ssyncadd.s32 $0xFFFFF830  }
0x507: {  	[tilespmem:s13], [sflag:$0x3] =	stream.linear.gather [spmem:s19], $0x3E80, $0x38;
	[tilespmem:$0x1A630] =	vst v63  }
0x508: {  	_ =	swait.ge [sflag:s0], $0x3E80  }
0x509: {  	[sflag:s0] =	ssyncset.done $0x0  }
0x50a: {  	s8 =	rddreg [dreg:$0x6];
	[sflag:s0] =	ssyncadd.s32 $0xFFFFC180  }
0x50b: {  	[hbm4b:s8+s10] =	stream.linear.scatter [tilespmem:s13], [sflag:$0x3], $0x3E80, $0x38;
	[tilespmem:$0x1A630] =	vst v63  }
0x50c: {  	_ =	swait.ge [sflag:s0], $0x3E80  }
0x50d: {  	[sflag:s0] =	ssyncset.done $0x0  }
0x50e: {  	[sflag:s0] =	ssyncadd.s32 $0xFFFFC180  }
0x50f: {  	[tilespmem:s1], [sflag:$0x3] =	stream.linear.gather [spmem:s20], $0x7D0, $0x38;
	[tilespmem:$0x1A630] =	vst v63  }
0x510: {  	_ =	swait.ge [sflag:s0], $0x7D0  }
0x511: {  	[sflag:s0] =	ssyncset.done $0x0  }
0x512: {  	s9 =	rddreg [dreg:$0x7];
	[sflag:s0] =	ssyncadd.s32 $0xFFFFF830  }
0x513: {  	[hbm4b:s9+s10] =	stream.linear.scatter [tilespmem:s1], [sflag:$0x3], $0x7D0, $0x38;
	[tilespmem:$0x1A630] =	vst v63  }
0x514: {  	_ =	swait.ge [sflag:s0], $0x7D0  }
0x515: {  	[sflag:s0] =	ssyncset.done $0x0  }
0x516: {  	[sflag:s0] =	ssyncadd.s32 $0xFFFFF830  }
0x517: {  	[tilespmem:s13], [sflag:$0x3] =	stream.linear.gather [spmem:s21], $0x3E80, $0x38;
	[tilespmem:$0x1A630] =	vst v63  }
0x518: {  	_ =	swait.ge [sflag:s0], $0x3E80  }
0x519: {  	[sflag:s0] =	ssyncset.done $0x0  }
0x51a: {  	s11 =	rddreg [dreg:$0x8];
	[sflag:s0] =	ssyncadd.s32 $0xFFFFC180  }
0x51b: {  	[hbm4b:s11+s10] =	stream.linear.scatter [tilespmem:s13], [sflag:$0x3], $0x3E80, $0x38;
	[tilespmem:$0x1A630] =	vst v63  }
0x51c: {  	_ =	swait.ge [sflag:s0], $0x3E80  }
0x51d: {  	[sflag:s0] =	ssyncset.done $0x0  }
0x51e: {  	[sflag:s0] =	ssyncadd.s32 $0xFFFFC180  }
0x51f: {  	[tilespmem:s1], [sflag:$0x3] =	stream.linear.gather [spmem:s22], $0x7D0, $0x38;
	[tilespmem:$0x1A630] =	vst v63  }
0x520: {  	_ =	swait.ge [sflag:s0], $0x7D0  }
0x521: {  	[sflag:s0] =	ssyncset.done $0x0  }
0x522: {  	s6 =	rddreg [dreg:$0xb];
	[sflag:s0] =	ssyncadd.s32 $0xFFFFF830  }
0x523: {  	[hbm4b:s6+s10] =	stream.linear.scatter [tilespmem:s1], [sflag:$0x3], $0x7D0, $0x38;
	[tilespmem:$0x1A630] =	vst v63  }
0x524: {  	_ =	swait.ge [sflag:s0], $0x7D0  }
0x525: {  	[sflag:s0] =	ssyncset.done $0x0  }
0x526: {  	[sflag:s0] =	ssyncadd.s32 $0xFFFFF830  }
0x527: {  	[tilespmem:s13], [sflag:$0x3] =	stream.linear.gather [spmem:s23], $0x3E80, $0x38;
	[tilespmem:$0x1A630] =	vst v63  }
0x528: {  	_ =	swait.ge [sflag:s0], $0x3E80  }
0x529: {  	[sflag:s0] =	ssyncset.done $0x0  }
0x52a: {  	s7 =	rddreg [dreg:$0x9];
	[sflag:s0] =	ssyncadd.s32 $0xFFFFC180  }
0x52b: {  	[hbm4b:s7+s10] =	stream.linear.scatter [tilespmem:s13], [sflag:$0x3], $0x3E80, $0x38;
	[tilespmem:$0x1A630] =	vst v63  }
0x52c: {  	_ =	swait.ge [sflag:s0], $0x3E80  }
0x52d: {  	[sflag:s0] =	ssyncset.done $0x0  }
0x52e: {  	[sflag:s0] =	ssyncadd.s32 $0xFFFFC180  }
0x52f: {  	[tilespmem:s1], [sflag:$0x3] =	stream.linear.gather [spmem:s24], $0x7D0, $0x38;
	[tilespmem:$0x1A630] =	vst v63  }
0x530: {  	_ =	swait.ge [sflag:s0], $0x7D0  }
0x531: {  	[sflag:s0] =	ssyncset.done $0x0  }
0x532: {  	s8 =	rddreg [dreg:$0xc];
	[sflag:s0] =	ssyncadd.s32 $0xFFFFF830  }
0x533: {  	[hbm4b:s8+s10] =	stream.linear.scatter [tilespmem:s1], [sflag:$0x3], $0x7D0, $0x38;
	[tilespmem:$0x1A630] =	vst v63  }
0x534: {  	_ =	swait.ge [sflag:s0], $0x7D0  }
0x535: {  	[sflag:s0] =	ssyncset.done $0x0  }
0x536: {  	[sflag:s0] =	ssyncadd.s32 $0xFFFFF830  }
0x537: {  	[tilespmem:s13], [sflag:$0x3] =	stream.linear.gather [spmem:s25], $0x3E80, $0x38;
	[tilespmem:$0x1A630] =	vst v63  }
0x538: {  	_ =	swait.ge [sflag:s0], $0x3E80  }
0x539: {  	[sflag:s0] =	ssyncset.done $0x0  }
0x53a: {  	s9 =	rddreg [dreg:$0xa];
	[sflag:s0] =	ssyncadd.s32 $0xFFFFC180  }
0x53b: {  	[hbm4b:s9+s10] =	stream.linear.scatter [tilespmem:s13], [sflag:$0x3], $0x3E80, $0x38;
	[tilespmem:$0x1A630] =	vst v63  }
0x53c: {  	_ =	swait.ge [sflag:s0], $0x3E80  }
0x53d: {  	[sflag:s0] =	ssyncset.done $0x0  }
0x53e: {  	[sflag:s0] =	ssyncadd.s32 $0xFFFFC180  }
0x53f: {  	[tilespmem:s1], [sflag:$0x3] =	stream.linear.gather [spmem:s26], $0x7D0, $0x38;
	[tilespmem:$0x1A630] =	vst v63  }
0x540: {  	s4 =	sadd.s32 $0x1, s4;
	_ =	swait.ge [sflag:s0], $0x7D0  }
0x541: {  	p0 =	sne.s32 s4, s16;
	[sflag:s0] =	ssyncset.done $0x0  }
.Ltmp1:
0x542: {  	s11 =	rddreg [dreg:$0xd];
	[sflag:s0] =	ssyncadd.s32 $0xFFFFF830;
	(pc) =	sbr.rel @p0 .LBB2_1-.Ltmp1, $4  }
0x543: {  	[hbm4b:s11+s10] =	stream.linear.scatter [tilespmem:s1], [sflag:$0x3], $0x7D0, $0x38;
	[tilespmem:$0x1A630] =	vst v63  }
0x544: {  	_ =	swait.ge [sflag:s0], $0x7D0  }
0x545: {  	[sflag:s0] =	ssyncset.done $0x0  }
0x546: {  	[sflag:s0] =	ssyncadd.s32 $0xFFFFF830  }
0x547: {  	_ =	sfence.sel $0x180000  }
0x548: {  	[bflag:$0x0] =	sbarrier.arrive $0xFFFF  }
0x549: {  	_ =	strace $0x9000004A  }
0x54a: {  	s0 =	stileid.u32;
	[bflag:$0x2] =	sbarrier.arrive $0xFFFF  }
0x54b: {  	p0 =	sne.s32 s0, $0x0;
	s0 =	rddreg [dreg:$0x3]  }
0x54c: {  	s0 =	sadd.s32 @!p0 $0x100000, s0  }
0x54d: {  	[sflag:s0] =	ssyncadd.tile.s32 @!p0 $0x1;
	_ =	shalt  }
.Lfunc_end2:
_tile_overlayer_lowered:
.L_overlay_start_2:
0x54e: {  	(tag) =	ssettag $0x2  }
0x54f: {  	s0 =	rddreg [dreg:$0x0];
	s2 =	stileid.u32  }
0x550: {  	s1 =	rddreg [dreg:$0x1];
	p0 =	sne.s32 s2, $0x0  }
0x551: {  	s3 =	rddreg [dreg:$0x2];
	[bflag:$0x3] =	sbarrier.arrive $0xFFFF;
	s2 =	simm.s32 @!p0 $0x1C03  }
0x552: {  	[timem:s3], [sflag:s2] =	dma.local @!p0 [hbm:s0], s1  }
0x553: {  	s0 =	simm.s32 @!p0 $0x3  }
0x554: {  	_ =	swait.ge @!p0 [sflag:s0], s1  }
0x555: {  	s1 =	ssub.s32 @!p0 $0x0, s1;
	[sflag:s0] =	ssyncset.done @!p0 $0x0  }
0x556: {  	[sflag:s0] =	ssyncadd.s32 @!p0 s1  }
0x557: {  	[bflag:$0x3] =	sbarrier.arrive $0xFFFF  }
0x558: {  	_ =	shalt  }

// kernel: kernel.7.cloned.1.call-start
scs
__scs_entry_jumppad:
0x0: {  	(pc) =	sbr.rel $0x88, $3  }
0x1: {  	(tag) =	ssettag $0x0;
	lr =	simm.s32 $0x1  }
0x2: {  	[smem:$0x3F92] =	sst lr;
	_ =	strace $0xD0000000  }
0x3: {  	_ = 	snop  }
0x4: {  	_ = 	snop  }
0x5: {  	_ = 	snop  }
0x6: {  	_ = 	snop  }
0x7: {  	_ = 	snop  }
__scs_overlays_trampoline_lowered:
0x8: {  	[smem:$0x3FA1] =	sst s0  }
0x9: {  	[smem:$0x3FA2] =	sst s1  }
0xa: {  	[smem:$0x3FA3] =	sst s2  }
0xb: {  	[smem:$0x3FA4] =	sst s3  }
0xc: {  	[smem:$0x3FA5] =	sst s4  }
0xd: {  	[smem:$0x3FA6] =	sst s5  }
0xe: {  	[smem:$0x3FA7] =	sst s6  }
0xf: {  	[smem:$0x3FA8] =	sst s7  }
0x10: {  	[smem:$0x3FA9] =	sst s8  }
0x11: {  	[smem:$0x3FAA] =	sst s9;
	s0 =	simm.s32 @!p0 $0x0  }
0x12: {  	s1 =	sld [smem:$0x3F90];
	s0 =	simm.s32 @p0 $0x1  }
0x13: {  	[smem:$0x3FAB] =	sst s0;
	s0 =	simm.s32 @!p1 $0x0  }
0x14: {  	s2 =	sld [smem:$0x3F8F];
	s0 =	simm.s32 @p1 $0x1  }
0x15: {  	[smem:$0x3FAC] =	sst s0;
	s0 =	simm.s32 @!p2 $0x0  }
0x16: {  	s3 =	sld [smem:$0x3FDB];
	s0 =	simm.s32 @p2 $0x1  }
0x17: {  	s4 =	simm.s32 $0x1BF5;
	[smem:$0x3FAE] =	sst s0  }
0x18: {  	s0 =	sld [smem:$0x3F91];
	_ =	swait.ge [sflag:s4], $0x0  }
0x19: {  	s7 =	sld [smem:$0x3F92]  }
0x1a: {  	s8 =	sadd.s32 $0xFFFFE003, lr  }
0x1b: {  	s9 =	sadd.s32 $0xFFFFFEF7, lr;
	s5 =	simm.s32 $0xFFFFFFFF;
	p2 =	slt.u32 s8, $0xFFFFF086  }
0x1c: {  	p1 =	slt.u32 s9, $0xF7A;
	s5 =	simm.s32 @!p2 $0x0  }
0x1d: {  	s5 =	simm.s32 @p1 $0x1;
	p0 =	seq.s32 s7, s2  }
0x1e: {  	s7 =	smul.u32 @!p0 $0xF7A, s2;
	p2 =	seq.s32 @!p0 s5, $0x0  }
0x1f: {  	s9 =	smul.u32 $0xF7A, s1;
	s8 =	simm.s32 @!p0 $0x1BF5;
	p2 =	por !p2, p0  }
0x20: {  	[sflag:s8] =	ssyncset.s32 @!p0 $0xFFFFF086;
	s6 =	sadd.s32 @!p0 s3, s7;
	s7 =	simm.s32 @!p0 $0x108  }
0x21: {  	s3 =	sadd.s32 s3, s9;
	s6 =	sadd.s32 @!p0 $0x88, s6;
	s7 =	simm.s32 @p2 $0x1082  }
0x22: {  	[simem:s7], [sflag:s8] =	dma.local @!p0 [hbm:s6], $0xF7A  }
0x23: {  	s9 =	sor.u32 $0xD0000000, s2;
	s6 =	simm.s32 $0x108;
	_ =	swait.ge @!p0 [sflag:s8], $0x0  }
0x24: {  	s3 =	sadd.s32 $0x88, s3;
	s6 =	simm.s32 @!p1 $0x1082;
	[sflag:s4] =	ssyncset.s32 $0xFFFFF086  }
0x25: {  	[simem:s6], [sflag:s4] =	dma.local [hbm:s3], $0xF7A  }
0x26: {  	[smem:$0x3F92] =	sst s1;
	(tag) =	ssettag s2;
	_ =	strace s9  }
0x27: {  	s1 =	sld [smem:$0x3FA2]  }
0x28: {  	s2 =	sld [smem:$0x3FA3]  }
0x29: {  	s4 =	sld [smem:$0x3FA5]  }
0x2a: {  	p0 =	seq.s32 s5, $0x0;
	s5 =	sld [smem:$0x3FA6]  }
0x2b: {  	s6 =	sld [smem:$0x3FA7]  }
0x2c: {  	s7 =	sld [smem:$0x3FA8]  }
0x2d: {  	s3 =	simm.s32 $0x108;
	s8 =	sld [smem:$0x3FA9]  }
0x2e: {  	s3 =	simm.s32 @!p0 $0x1082;
	s9 =	sld [smem:$0x3FAA]  }
0x2f: {  	lr =	sadd.s32 s0, s3;
	s0 =	sld [smem:$0x3FA1]  }
0x30: {  	s3 =	sld [smem:$0x3FA4]  }
0x31: {  	[smem:$0x3FAD] =	sst s10  }
0x32: {  	s10 =	sld [smem:$0x3FAB];
	_ =	sdelay $0x3  }
0x33: {  	p0 =	seq.s32 s10, $0x1;
	s10 =	sld [smem:$0x3FAD];
	_ =	sdelay $0x3  }
0x34: {  	[smem:$0x3FAD] =	sst s10  }
0x35: {  	s10 =	sld [smem:$0x3FAC];
	_ =	sdelay $0x3  }
0x36: {  	p1 =	seq.s32 s10, $0x1;
	s10 =	sld [smem:$0x3FAD];
	_ =	sdelay $0x3  }
0x37: {  	[smem:$0x3FAD] =	sst s10  }
0x38: {  	s10 =	sld [smem:$0x3FAE]  }
0x39: {  	_ = 	snop;
	(pc) =	sbr.ind lr, $3  }
0x3a: {  	_ = 	snop  }
0x3b: {  	_ = 	snop  }
0x3c: {  	p2 =	seq.s32 s10, $0x1;
	s10 =	sld [smem:$0x3FAD]  }
0x3d: {  	_ =	shalt  }
0x3e: {  	_ =	shalt  }
0x3f: {  	_ =	shalt  }
0x40: {  	_ =	shalt  }
0x41: {  	_ =	shalt  }
0x42: {  	_ =	shalt  }
0x43: {  	_ =	shalt  }
0x44: {  	_ =	shalt  }
0x45: {  	_ =	shalt  }
0x46: {  	_ =	shalt  }
0x47: {  	_ =	shalt  }
0x48: {  	_ =	shalt  }
0x49: {  	_ =	shalt  }
0x4a: {  	_ =	shalt  }
0x4b: {  	_ =	shalt  }
0x4c: {  	_ =	shalt  }
0x4d: {  	_ =	shalt  }
0x4e: {  	_ =	shalt  }
0x4f: {  	_ =	shalt  }
0x50: {  	_ =	shalt  }
0x51: {  	_ =	shalt  }
0x52: {  	_ =	shalt  }
0x53: {  	_ =	shalt  }
0x54: {  	_ =	shalt  }
0x55: {  	_ =	shalt  }
0x56: {  	_ =	shalt  }
0x57: {  	_ =	shalt  }
0x58: {  	_ =	shalt  }
0x59: {  	_ =	shalt  }
0x5a: {  	_ =	shalt  }
0x5b: {  	_ =	shalt  }
0x5c: {  	_ =	shalt  }
0x5d: {  	_ =	shalt  }
0x5e: {  	_ =	shalt  }
0x5f: {  	_ =	shalt  }
0x60: {  	_ =	shalt  }
0x61: {  	_ =	shalt  }
0x62: {  	_ =	shalt  }
0x63: {  	_ =	shalt  }
0x64: {  	_ =	shalt  }
0x65: {  	_ =	shalt  }
0x66: {  	_ =	shalt  }
0x67: {  	_ =	shalt  }
0x68: {  	_ =	shalt  }
0x69: {  	_ =	shalt  }
0x6a: {  	_ =	shalt  }
0x6b: {  	_ =	shalt  }
0x6c: {  	_ =	shalt  }
0x6d: {  	_ =	shalt  }
0x6e: {  	_ =	shalt  }
0x6f: {  	_ =	shalt  }
0x70: {  	_ =	shalt  }
0x71: {  	_ =	shalt  }
0x72: {  	_ =	shalt  }
0x73: {  	_ =	shalt  }
0x74: {  	_ =	shalt  }
0x75: {  	_ =	shalt  }
0x76: {  	_ =	shalt  }
0x77: {  	_ =	shalt  }
0x78: {  	_ =	shalt  }
0x79: {  	_ =	shalt  }
0x7a: {  	_ =	shalt  }
0x7b: {  	_ =	shalt  }
0x7c: {  	_ =	shalt  }
0x7d: {  	_ =	shalt  }
0x7e: {  	_ =	shalt  }
0x7f: {  	_ =	shalt  }
0x80: {  	_ =	shalt  }
0x81: {  	_ =	shalt  }
0x82: {  	_ =	shalt  }
0x83: {  	_ =	shalt  }
0x84: {  	_ =	shalt  }
0x85: {  	_ =	shalt  }
0x86: {  	_ =	shalt  }
0x87: {  	_ =	shalt  }
.Lfunc_end0:
.L_simem_size_0:
called_computation_lowered:
.L_overlay_start_0:
0x88: {  	s2 =	sld [smem:$0x3FD9]  }
0x89: {  	s3 =	sld [smem:$0x3FFE];
	_ =	sdelay $0x1  }
0x8a: {  	s1 =	srdreg.scid  }
0x8b: {  	s0 =	sand.u32 $0x1, s1  }
0x8c: {  	s16 =	sshll.u32 s0, $0xA;
	s2 =	sadd.s32 s3, s2  }
0x8d: {  	s2 =	sadd.s32 s2, s16  }
0x8e: {  	[smem:$0x3FB9] =	sst s2  }
0x8f: {  	_ = 	snop  }
0x90: {  	(tm) =	ssettm $0x1  }
0x91: {  	s17 =	sld [smem:$0x3FFB];
	_ =	sdelay $0x3  }
0x92: {  	_ =	strace s17  }
0x93: {  	s2 =	sld [smem:$0x3FFC];
	_ =	sdelay $0x3  }
0x94: {  	_ =	strace s2  }
0x95: {  	s2 =	sld [smem:$0x3FFD];
	_ =	sdelay $0x3  }
0x96: {  	_ =	strace s2  }
0x97: {  	_ =	strace $0x8FFFFFFF  }
0x98: {  	s18 =	sld [smem:$0x3FDB];
	_ =	sdelay $0x1  }
0x99: {  	s19 =	simm.s32 $_scs_section_size  }
0x9a: {  	s4 =	simm.s32 $_size__tile_overlayer_lowered;
	s5 =	simm.s32 $_tile_overlayer_lowered  }
0x9b: {  	s22 =	simm.s32 $0x1BFF;
	s21 =	sshll.u32 s5, $0x1;
	s2 =	sadd.s32 s19, s18  }
0x9c: {  	s6 =	simm.s32 $0x0;
	s20 =	sshll.u32 s4, $0x1;
	s4 =	sadd.s32 s21, s2  }
0x9d: {  	[timem:s6], [sflag:s22] =	dma.local [hbm:s4], s20  }
0x9e: {  	_ =	swait.ge [sflag:s22], s20  }
0x9f: {  	s3 =	ssub.s32 $0x0, s20;
	[sflag:s22] =	ssyncset.done $0x0  }
0xa0: {  	[sflag:s22] =	ssyncadd.s32 s3;
	_ =	sdelay $0x1  }
0xa1: {  	s23 =	simm.s32 $0x1B8B  }
0xa2: {  	_ =	swait.ge [sflag:s23], $0x1  }
0xa3: {  	[sflag:s23] =	ssyncset.done $0x0  }
0xa4: {  	s25 =	simm.s32 $0x1B8E;
	s24 =	sld [smem:$0x3FFE];
	[sflag:s23] =	ssyncadd.s32 $0xFFFFFFFF  }
0xa5: {  	s26 =	simm.s32 $execute0_lowered;
	[smem:$0x3FD2] =	sst s25  }
0xa6: {  	s4 =	sshll.u32 s26, $0x1;
	_ =	strace $0x80000046;
	[dreg:$0x1] =	wrdreg $0xFFFFFFFF  }
0xa7: {  	s28 =	simm.s32 $_size_execute0_lowered;
	s2 =	sadd.s32 s2, s4;
	[dreg:$0x0] =	wrdreg $0x0  }
0xa8: {  	s4 =	sshll.u32 s28, $0x1;
	[dreg:$0x2] =	wrdreg s2  }
0xa9: {  	[dreg:$0x3] =	wrdreg s4  }
0xaa: {  	[dreg:$0x4] =	wrdreg $0xC0  }
0xab: {  	_ =	task [dreg:s6], $0x5FFFF  }
0xac: {  	[dreg:$0x1] =	wrdreg $0xFFFFFFFF  }
0xad: {  	[dreg:$0x0] =	wrdreg $0x60  }
0xae: {  	[dreg:$0x2] =	wrdreg s24  }
0xaf: {  	[dreg:$0x3] =	wrdreg $0x9  }
0xb0: {  	_ =	task.clear_ibuf [dreg:s6], $0x4FFFF;
	_ =	strace $0x90000046  }
0xb1: {  	s29 =	simm.s32 $0x9;
	_ =	strace $0x80000048  }
0xb2: {  	_ =	swait.ge [sflag:s29], $0x1  }
0xb3: {  	[sflag:s29] =	ssyncadd.s32 $0xFFFFFFFF  }
0xb4: {  	_ =	strace $0x90000048  }
0xb5: {  	_ =	sfence  }
0xb6: {  	s30 =	sld [smem:$0x0];
	_ =	sdelay $0x2  }
0xb7: {  	s31 =	sshll.u32 s1, $0xD;
	s1 =	sshrl.u32 s1, $0x2  }
0xb8: {  	s3 =	sand.u32 $0x4000, s31;
	s1 =	sadd.s32 s1, s30  }
0xb9: {  	s0 =	sor.u32 s3, s0;
	s1 =	sshll.u32 s1, $0x11  }
0xba: {  	s0 =	sor.u32 s1, s0  }
0xbb: {  	s0 =	sadd.s32 $0x8F2B, s0  }
0xbc: {  	[sflag:s0] =	ssyncadd.remote.s32 $0x1  }
0xbd: {  	_ =	sfence.sel $0xFFFF  }
0xbe: {  	[dreg:$0x0] =	wrdreg $0xFFFFFFFF;
	(pc) =	sbr.abs _section_cstart, $3  }
0xbf: {  	[dreg:$0x1] =	wrdreg $0xFFFFFFFF  }
0xc0: {  	_ =	task.clear_ibuf [dreg:s6], $0x2FFFF;
	_ =	strace $0x9FFFFFFF  }
0xc1: {  	(tm) =	ssettm $0x7FFFFFFF  }
tec
execute0_lowered:
.L_overlay_start_1:
0x0: {  	(tag) =	ssettag $0x1  }
0x1: {  	s1 =	srdreg.scid;
	s0 =	stileid.u32  }
0x2: {  	s6 =	rddreg [dreg:$0x0];
	s2 =	simm.s32 $0x0;
	s14 =	simm.s32 $0x28A0  }
0x3: {  	s15 =	simm.s32 $0x2DA0;
	s16 =	simm.s32 $0x1;
	s3 =	smul.u32 $0x4E20, s0  }
0x4: {  	s17 =	simm.s32 $0x2;
	s18 =	simm.s32 $0x3;
	s7 =	smul.u32 $0x4E200, s0  }
0x5: {  	s5 =	sand.u32 $0x1, s1;
	s1 =	rddreg [dreg:$0x1];
	s8 =	smul.u32 $0x9C40, s0  }
0x6: {  	s19 =	simm.s32 $0x0;
	[smem:$0x7FF] =	sst s2;
	s4 =	smul.u32 $0x2710, s5  }
0x7: {  	_ =	strace $0x80000047;
	s9 =	ssub.s32 $0x2, s5;
	s12 =	smul.u32 $0x4E20, s5  }
0x8: {  	s29 =	smul.u32 $0x27100, s5;
	s11 =	sshrl.u32 s9, $0x1;
	s8 =	sadd.s32 s8, s6  }
0x9: {  	s13 =	sadd.s32 s7, s6;
	s3 =	sadd.s32 s4, s3;
	s4 =	sadd.s32 $0x3EA00, s6  }
0xa: {  	s9 =	ssub.s32 s9, s11;
	s30 =	sadd.s32 s12, s8;
	s31 =	sadd.s32 s29, s13  }
0xb: {  	s11 =	simm.s32 $0x4;
	s12 =	simm.s32 $0x50;
	s13 =	simm.s32 $0xA0  }
0xc: {  	s3 =	sshrl.u32 s3, $0x3;
	s5 =	smax.u32 s9, $0x1;
	s7 =	sadd.s32 $0x43A00, s30  }
0xd: {  	s8 =	sadd.s32 $0x17C200, s31;
	s10 =	sadd.s32 s3, s6;
	s3 =	sadd.s32 $0x17800, s6  }
0xe: {  	s6 =	sadd.s32 $0xDFE00, s30;
	s9 =	sadd.s32 $0xDA00, s10;
	s10 =	sadd.s32 $0x3C00, s10  }
.LBB2_1:
0xf: {  	s20 =	sadd.s32 $0x0, s10  }
0x10: {  	[tilespmem:s2], [sflag:$0x4] =	stream.linear.gather [hbm4b:s20+s2], $0x50, $0x38;
	[tilespmem:$0x32A0] =	vst v63  }
0x11: {  	_ =	swait.ge [sflag:s11], $0x50  }
0x12: {  	[sflag:s11] =	ssyncset.done $0x0  }
0x13: {  	s31 =	sadd.s32 $0x0, s9;
	[sflag:s11] =	ssyncadd.s32 $0xFFFFFFB0  }
0x14: {  	[tilespmem:s12], [sflag:$0x4] =	stream.linear.gather [hbm4b:s31+s2], $0x50, $0x38;
	[tilespmem:$0x32A0] =	vst v63  }
0x15: {  	_ =	swait.ge [sflag:s11], $0x50  }
0x16: {  	[sflag:s11] =	ssyncset.done $0x0  }
0x17: {  	[sflag:s11] =	ssyncadd.s32 $0xFFFFFFB0  }
0x18: {  	[tilespmem:s13], [sflag:$0x1] =	stream.indirect.gather [hbm4b:s3+s12], $0x80, s2, s12, $0xb8;
	[tilespmem:$0x32A0] =	vst v63  }
0x19: {  	_ = 	snop  }
0x1a: {  	[tilespmem:s14], [sflag:$0x2] =	stream.indirect.gather [hbm4b:s4+s12], $0x10, s2, s12, $0xb8;
	[tilespmem:$0x32A0] =	vst v63  }
0x1b: {  	_ = 	snop  }
0x1c: {  	[tilespmem:s15], [sflag:$0x3] =	stream.indirect.gather [hbm4b:s4+s12], $0x10, s12, s12, $0xb8;
	[tilespmem:$0x32A0] =	vst v63  }
0x1d: {  	_ =	swait.ge [sflag:s16], $0x2800  }
0x1e: {  	[sflag:s16] =	ssyncset.done $0x0  }
0x1f: {  	[sflag:s16] =	ssyncadd.s32 $0xFFFFD800  }
0x20: {  	_ =	swait.ge [sflag:s17], $0x500  }
0x21: {  	[sflag:s17] =	ssyncset.done $0x0  }
0x22: {  	[sflag:s17] =	ssyncadd.s32 $0xFFFFFB00  }
0x23: {  	_ =	swait.ge [sflag:s18], $0x500  }
0x24: {  	[sflag:s18] =	ssyncset.done $0x0  }
0x25: {  	[sflag:s18] =	ssyncadd.s32 $0xFFFFFB00  }
0x26: {  	[hbm4b:s8+s2] =	stream.linear.scatter [tilespmem:s13], [sflag:$0x4], $0x2800, $0x38;
	[tilespmem:$0x32A0] =	vst v63  }
0x27: {  	_ =	swait.ge [sflag:s11], $0x2800  }
0x28: {  	[sflag:s11] =	ssyncset.done $0x0  }
0x29: {  	[sflag:s11] =	ssyncadd.s32 $0xFFFFD800  }
0x2a: {  	[hbm4b:s7+s2] =	stream.linear.scatter [tilespmem:s14], [sflag:$0x4], $0x500, $0x38;
	[tilespmem:$0x32A0] =	vst v63  }
0x2b: {  	_ =	swait.ge [sflag:s11], $0x500  }
0x2c: {  	[sflag:s11] =	ssyncset.done $0x0  }
0x2d: {  	s23 =	simm.s32 $0xA;
	[sflag:s11] =	ssyncadd.s32 $0xFFFFFB00  }
0x2e: {  	[hbm4b:s6+s2] =	stream.linear.scatter [tilespmem:s15], [sflag:$0x4], $0x500, $0x38;
	[tilespmem:$0x32A0] =	vst v63  }
0x2f: {  	s25 =	simm.s32 $0x14;
	s22 =	sadd.s32 $0x500, s8;
	_ =	swait.ge [sflag:s11], $0x500  }
0x30: {  	s21 =	sadd.s32 $0xA0, s7;
	s20 =	sadd.s32 $0xA0, s6;
	[sflag:s11] =	ssyncset.done $0x0  }
.LBB2_2:
0x31: {  	s26 =	sadd.s32 s23, s10  }
0x32: {  	[sflag:s11] =	ssyncadd.s32 $0xFFFFFB00;
	s28 =	smov.u32 s25;
	s24 =	sadd.s32 $0xA, s25  }
0x33: {  	[tilespmem:s2], [sflag:$0x4] =	stream.linear.gather [hbm4b:s26+s2], $0x50, $0x38;
	[tilespmem:$0x32A0] =	vst v63  }
0x34: {  	p0 =	sne.s32 s25, $0x4D8;
	_ =	swait.ge [sflag:s11], $0x50  }
0x35: {  	[sflag:s11] =	ssyncset.done $0x0  }
0x36: {  	s25 =	sadd.s32 s23, s9;
	s23 =	smov.u32 s28;
	[sflag:s11] =	ssyncadd.s32 $0xFFFFFFB0  }
0x37: {  	[tilespmem:s12], [sflag:$0x4] =	stream.linear.gather [hbm4b:s25+s2], $0x50, $0x38;
	[tilespmem:$0x32A0] =	vst v63  }
0x38: {  	_ =	swait.ge [sflag:s11], $0x50  }
0x39: {  	[sflag:s11] =	ssyncset.done $0x0  }
0x3a: {  	[sflag:s11] =	ssyncadd.s32 $0xFFFFFFB0  }
0x3b: {  	[tilespmem:s13], [sflag:$0x1] =	stream.indirect.gather [hbm4b:s3+s12], $0x80, s2, s12, $0xb8;
	[tilespmem:$0x32A0] =	vst v63  }
0x3c: {  	_ = 	snop  }
0x3d: {  	[tilespmem:s14], [sflag:$0x2] =	stream.indirect.gather [hbm4b:s4+s12], $0x10, s2, s12, $0xb8;
	[tilespmem:$0x32A0] =	vst v63  }
0x3e: {  	_ = 	snop  }
0x3f: {  	[tilespmem:s15], [sflag:$0x3] =	stream.indirect.gather [hbm4b:s4+s12], $0x10, s12, s12, $0xb8;
	[tilespmem:$0x32A0] =	vst v63  }
0x40: {  	_ =	swait.ge [sflag:s16], $0x2800  }
0x41: {  	[sflag:s16] =	ssyncset.done $0x0  }
0x42: {  	[sflag:s16] =	ssyncadd.s32 $0xFFFFD800  }
0x43: {  	_ =	swait.ge [sflag:s17], $0x500  }
0x44: {  	[sflag:s17] =	ssyncset.done $0x0  }
0x45: {  	[sflag:s17] =	ssyncadd.s32 $0xFFFFFB00  }
0x46: {  	_ =	swait.ge [sflag:s18], $0x500  }
0x47: {  	[sflag:s18] =	ssyncset.done $0x0  }
0x48: {  	[sflag:s18] =	ssyncadd.s32 $0xFFFFFB00  }
0x49: {  	[hbm4b:s22+s2] =	stream.linear.scatter [tilespmem:s13], [sflag:$0x4], $0x2800, $0x38;
	[tilespmem:$0x32A0] =	vst v63  }
0x4a: {  	_ =	swait.ge [sflag:s11], $0x2800  }
0x4b: {  	[sflag:s11] =	ssyncset.done $0x0  }
0x4c: {  	[sflag:s11] =	ssyncadd.s32 $0xFFFFD800  }
0x4d: {  	[hbm4b:s21+s2] =	stream.linear.scatter [tilespmem:s14], [sflag:$0x4], $0x500, $0x38;
	[tilespmem:$0x32A0] =	vst v63  }
0x4e: {  	_ =	swait.ge [sflag:s11], $0x500  }
.Ltmp0:
0x4f: {  	[sflag:s11] =	ssyncset.done $0x0;
	(pc) =	sbr.rel @p0 .LBB2_2-.Ltmp0, $4  }
0x50: {  	[sflag:s11] =	ssyncadd.s32 $0xFFFFFB00  }
0x51: {  	[hbm4b:s20+s2] =	stream.linear.scatter [tilespmem:s15], [sflag:$0x4], $0x500, $0x38;
	[tilespmem:$0x32A0] =	vst v63  }
0x52: {  	s25 =	smov.u32 s24;
	s22 =	sadd.s32 $0x500, s22;
	_ =	swait.ge [sflag:s11], $0x500  }
0x53: {  	s21 =	sadd.s32 $0xA0, s21;
	s20 =	sadd.s32 $0xA0, s20;
	[sflag:s11] =	ssyncset.done $0x0  }
0x54: {  	s24 =	sadd.s32 s23, s10;
	[sflag:s11] =	ssyncadd.s32 $0xFFFFFB00  }
0x55: {  	[tilespmem:s2], [sflag:$0x4] =	stream.linear.gather [hbm4b:s24+s2], $0x50, $0x38;
	[tilespmem:$0x32A0] =	vst v63  }
0x56: {  	_ =	swait.ge [sflag:s11], $0x50  }
0x57: {  	[sflag:s11] =	ssyncset.done $0x0  }
0x58: {  	s31 =	sadd.s32 s23, s9;
	[sflag:s11] =	ssyncadd.s32 $0xFFFFFFB0  }
0x59: {  	[tilespmem:s12], [sflag:$0x4] =	stream.linear.gather [hbm4b:s31+s2], $0x50, $0x38;
	[tilespmem:$0x32A0] =	vst v63  }
0x5a: {  	_ =	swait.ge [sflag:s11], $0x50  }
0x5b: {  	[sflag:s11] =	ssyncset.done $0x0  }
0x5c: {  	[sflag:s11] =	ssyncadd.s32 $0xFFFFFFB0  }
0x5d: {  	[tilespmem:s13], [sflag:$0x1] =	stream.indirect.gather [hbm4b:s3+s12], $0x80, s2, s12, $0xb8;
	[tilespmem:$0x32A0] =	vst v63  }
0x5e: {  	_ = 	snop  }
0x5f: {  	[tilespmem:s14], [sflag:$0x2] =	stream.indirect.gather [hbm4b:s4+s12], $0x10, s2, s12, $0xb8;
	[tilespmem:$0x32A0] =	vst v63  }
0x60: {  	_ = 	snop  }
0x61: {  	[tilespmem:s15], [sflag:$0x3] =	stream.indirect.gather [hbm4b:s4+s12], $0x10, s12, s12, $0xb8;
	[tilespmem:$0x32A0] =	vst v63  }
0x62: {  	_ =	swait.ge [sflag:s16], $0x2800  }
0x63: {  	[sflag:s16] =	ssyncset.done $0x0  }
0x64: {  	[sflag:s16] =	ssyncadd.s32 $0xFFFFD800  }
0x65: {  	_ =	swait.ge [sflag:s17], $0x500  }
0x66: {  	[sflag:s17] =	ssyncset.done $0x0  }
0x67: {  	[sflag:s17] =	ssyncadd.s32 $0xFFFFFB00  }
0x68: {  	_ =	swait.ge [sflag:s18], $0x500  }
0x69: {  	[sflag:s18] =	ssyncset.done $0x0  }
0x6a: {  	[sflag:s18] =	ssyncadd.s32 $0xFFFFFB00  }
0x6b: {  	[hbm4b:s22+s2] =	stream.linear.scatter [tilespmem:s13], [sflag:$0x4], $0x2800, $0x38;
	[tilespmem:$0x32A0] =	vst v63  }
0x6c: {  	_ =	swait.ge [sflag:s11], $0x2800  }
0x6d: {  	[sflag:s11] =	ssyncset.done $0x0  }
0x6e: {  	[sflag:s11] =	ssyncadd.s32 $0xFFFFD800  }
0x6f: {  	[hbm4b:s21+s2] =	stream.linear.scatter [tilespmem:s14], [sflag:$0x4], $0x500, $0x38;
	[tilespmem:$0x32A0] =	vst v63  }
0x70: {  	s19 =	sadd.s32 $0x1, s19;
	_ =	swait.ge [sflag:s11], $0x500  }
0x71: {  	p0 =	sne.s32 s19, s5;
	[sflag:s11] =	ssyncset.done $0x0  }
.Ltmp1:
0x72: {  	[sflag:s11] =	ssyncadd.s32 $0xFFFFFB00;
	(pc) =	sbr.rel @p0 .LBB2_1-.Ltmp1, $4  }
0x73: {  	[hbm4b:s20+s2] =	stream.linear.scatter [tilespmem:s15], [sflag:$0x4], $0x500, $0x38;
	[tilespmem:$0x32A0] =	vst v63  }
0x74: {  	_ =	swait.ge [sflag:s11], $0x500  }
0x75: {  	[sflag:s11] =	ssyncset.done $0x0  }
0x76: {  	[sflag:s11] =	ssyncadd.s32 $0xFFFFFB00  }
0x77: {  	_ =	sfence.sel $0x180000  }
0x78: {  	[bflag:$0x0] =	sbarrier.arrive $0xFFFF  }
0x79: {  	p0 =	sne.s32 s0, $0x0;
	_ =	strace $0x90000047  }
0x7a: {  	s0 =	sadd.s32 @!p0 $0x100000, s1;
	[bflag:$0x2] =	sbarrier.arrive $0xFFFF  }
0x7b: {  	[sflag:s0] =	ssyncadd.tile.s32 @!p0 $0x1;
	_ =	shalt  }
.Lfunc_end2:
_tile_overlayer_lowered:
.L_overlay_start_2:
0x7c: {  	(tag) =	ssettag $0x2  }
0x7d: {  	s0 =	rddreg [dreg:$0x0];
	s2 =	stileid.u32  }
0x7e: {  	s1 =	rddreg [dreg:$0x1];
	p0 =	sne.s32 s2, $0x0  }
0x7f: {  	s3 =	rddreg [dreg:$0x2];
	[bflag:$0x3] =	sbarrier.arrive $0xFFFF;
	s2 =	simm.s32 @!p0 $0x1C04  }
0x80: {  	[timem:s3], [sflag:s2] =	dma.local @!p0 [hbm:s0], s1  }
0x81: {  	s0 =	simm.s32 @!p0 $0x4  }
0x82: {  	_ =	swait.ge @!p0 [sflag:s0], s1  }
0x83: {  	s1 =	ssub.s32 @!p0 $0x0, s1;
	[sflag:s0] =	ssyncset.done @!p0 $0x0  }
0x84: {  	[sflag:s0] =	ssyncadd.s32 @!p0 s1  }
0x85: {  	[bflag:$0x3] =	sbarrier.arrive $0xFFFF  }
0x86: {  	_ =	shalt  }

</sc_bundles>
